<compile_context>
chip_gen: v7x
topology: tpu7x:2x2x1
jax: 0.10.2.dev20260603
libtpu: 0.0.44.dev20260713+nightly
codegen_flags: <defaults>
</compile_context>

<pallas_src>
import jax
import jax.numpy as jnp
from jax import lax
from jax.experimental import pallas as pl
from jax.experimental.pallas import tpu as pltpu
from jax.experimental.pallas import tpu_sc as plsc

NDEV = 8
T = 4096
D = 1024
TOP_K = 2
NEXP = 16

NC = 2
NS = 16
NW = NC * NS
TPW = T // NW

TB = 256
NTB = T // TB


def _routing_body(idx_hbm, map_hbm, w_hbm, idx_v, map_v, wloc, wsem):
    cid = lax.axis_index("c")
    sid = lax.axis_index("s")
    wid = sid * NC + cid
    t0 = wid * TPW

    pltpu.sync_copy(idx_hbm.at[pl.ds(wid * (TPW * TOP_K), TPW * TOP_K)], idx_v)
    pltpu.sync_copy(map_hbm, map_v)

    def _zrow(i, carry):
        for j in range(TPW // 16):
            wloc[pl.ds(i * TPW + j * 16, 16)] = jnp.zeros((16,), jnp.float32)
        return carry
    lax.fori_loop(0, NDEV, _zrow, 0)

    io16 = lax.iota(jnp.int32, 16)
    ones = jnp.ones((16,), jnp.float32)
    for c in range(TPW // 16):
        lt = c * 16 + io16
        e0 = plsc.load_gather(idx_v, [2 * lt])
        e1 = plsc.load_gather(idx_v, [2 * lt + 1])
        d0 = plsc.load_gather(map_v, [e0])
        d1 = plsc.load_gather(map_v, [e1])
        plsc.store_scatter(wloc, [d0 * TPW + lt], ones)
        plsc.store_scatter(wloc, [d1 * TPW + lt], ones)

    hs = []
    for d in range(NDEV):
        hs.append(pltpu.async_copy(
            wloc.at[pl.ds(d * TPW, TPW)], w_hbm.at[d, pl.ds(t0, TPW)], wsem))
    for h in hs:
        h.wait()


def _routing_mask(idx_flat, expert_mapping):
    mesh = plsc.VectorSubcoreMesh(
        core_axis_name="c", subcore_axis_name="s",
        num_cores=NC, num_subcores=NS)
    f = pl.kernel(
        _routing_body,
        out_type=jax.ShapeDtypeStruct((NDEV, T), jnp.float32),
        mesh=mesh,
        compiler_params=pltpu.CompilerParams(needs_layout_passes=False),
        scratch_types=[
            pltpu.VMEM((TPW * TOP_K,), jnp.int32),
            pltpu.VMEM((NEXP,), jnp.int32),
            pltpu.VMEM((NDEV * TPW,), jnp.float32),
            pltpu.SemaphoreType.DMA,
        ],
    )
    return f(idx_flat, expert_mapping)


def _dispatch_tc(in_ref, w_ref, out_ref):
    for tc in range(TB // 8):
        rows8 = in_ref[pl.ds(tc * 8, 8), :]
        wb8 = w_ref[:, pl.ds(tc * 8, 8)]
        out_ref[:, pl.ds(tc * 8, 8), :] = rows8[None, :, :] * wb8[:, :, None]


def kernel(input_tensor, expert_indices, expert_mapping):
    idx_flat = expert_indices.reshape(-1)
    w = _routing_mask(idx_flat, expert_mapping)
    out = pl.pallas_call(
        _dispatch_tc,
        grid=(NTB,),
        in_specs=[
            pl.BlockSpec((TB, D), lambda tb: (tb, 0)),
            pl.BlockSpec((NDEV, TB), lambda tb: (0, tb)),
        ],
        out_specs=pl.BlockSpec((NDEV, TB, D), lambda tb: (0, tb, 0)),
        out_shape=jax.ShapeDtypeStruct((NDEV, T, D), jnp.float32),
    )(input_tensor, w)
    return out

# --- scband reference (transcript-rebuilt; emitter-appended) ---
"""Pipeline reference for scband-all-to-all-dispatch-forward-15822659519276 (READ-ONLY COPY).

The authoritative reference and input builder live on the scoring server;
editing this copy changes nothing except your own understanding.
"""

import jax, jax.numpy as jnp
import numpy as np

# Module-level constants from the original torch module's closure
ROUTING_ROWS = 8   # num_devices
CLUSTER_AXIS = 0

T = 4096        # tokens = batch(2) * seq(2048)
D_MODEL = 1024
TOP_K = 2
N_EXPERTS = 16


def setup_inputs(seed: int = 0) -> dict:
    key = jax.random.key(seed)
    k1, k2, k3 = jax.random.split(key, 3)
    input_tensor = jax.random.normal(k1, (T, D_MODEL), dtype=jnp.float32)
    expert_indices = jax.random.randint(k2, (T, TOP_K), 0, N_EXPERTS, dtype=jnp.int32)
    expert_mapping = jax.random.randint(k3, (N_EXPERTS,), 0, ROUTING_ROWS, dtype=jnp.int32)
    return {
        'input_tensor': input_tensor,
        'expert_indices': expert_indices,
        'expert_mapping': expert_mapping,
    }


def reference(input_tensor, expert_indices, expert_mapping):
    # Faithful dense emulation of tt.all_to_all_dispatch:
    # each token is sent (gather/copy) to every device that hosts one of its
    # top-k selected experts. Output is laid out per-device along axis 0
    # (cluster_axis=0): dispatched[d, t, :] = input_tensor[t, :] if token t is
    # routed to device d (via expert_mapping[expert_indices[t, k]] == d for any
    # k), else zeros (empty/unfilled slot).
    num_devices = ROUTING_ROWS
    # device hosting each selected expert: [T, K]
    dev_per_token = jnp.take(expert_mapping, expert_indices, axis=0)
    # mask[d, t] = token t dispatched to device d
    mask = (dev_per_token[None, :, :] == jnp.arange(num_devices, dtype=dev_per_token.dtype)[:, None, None]).any(axis=-1)
    dispatched = jnp.where(mask[:, :, None], input_tensor[None, :, :], jnp.zeros((), dtype=input_tensor.dtype))
    return dispatched

if __name__ == "__main__":
    import jax
    _d = setup_inputs()
    print(jax.jit(kernel)(*tuple(_d.values())))

</pallas_src>

<mosaic_0001>
#map = affine_map<(d0, d1) -> (0)>
#map1 = affine_map<(d0, d1) -> (0, 0)>
module attributes {stable_mosaic.version = 14 : i64} {
  func.func @_routing_body(%arg0: i32, %arg1: i32, %arg2: memref<8192xi32, #tpu.memory_space<hbm>>, %arg3: memref<16xi32, #tpu.memory_space<hbm>>, %arg4: memref<8x4096xf32, #tpu.memory_space<hbm>>, %arg5: memref<256xi32, #tpu.memory_space<vmem>>, %arg6: memref<16xi32, #tpu.memory_space<vmem>>, %arg7: memref<1024xf32, #tpu.memory_space<vmem>>, %arg8: memref<!tpu.dma_semaphore, #tpu.memory_space<semaphore_mem>>) attributes {dimension_semantics = [#tpu.dimension_semantics<core_parallel>, #tpu.dimension_semantics<subcore_parallel>], iteration_bounds = array<i64: 2, 16>, scalar_prefetch = 0 : i64, scratch_operands = 4 : i64, tpu.core_type = #tpu.core_type<sc_vector_subcore>, window_params = [{transform_indices = #map}, {transform_indices = #map}, {transform_indices = #map1}]} {
    %mul3A = arith.constant 2 : i32
    %mul3A_0 = arith.muli %arg1, %mul3A : i32
    %add3A = arith.addi %mul3A_0, %arg0 : i32
    %mul3A_1 = arith.constant 128 : i32
    %mul3A_2 = arith.muli %add3A, %mul3A_1 : i32
    %mul3A_3 = arith.constant 256 : i32
    %mul3A_4 = arith.muli %add3A, %mul3A_3 : i32
    "tpu.region"() ({
      %run_scoped3A = tpu.sem_alloc : memref<!tpu.dma_semaphore, #tpu.memory_space<semaphore_mem>>
      %dma_start3A_344 = tpu.memref_slice %arg2[%mul3A_4] : memref<8192xi32, #tpu.memory_space<hbm>> -> memref<256xi32, #tpu.memory_space<hbm>>
      %dma_start3A_345 = tpu.memref_slice %arg2[%mul3A_4] : memref<8192xi32, #tpu.memory_space<hbm>> -> memref<256xi32, #tpu.memory_space<hbm>>
      tpu.enqueue_dma source(%dma_start3A_345 : memref<256xi32, #tpu.memory_space<hbm>>) target(%arg5 : memref<256xi32, #tpu.memory_space<vmem>>) target_semaphore(%run_scoped3A : memref<!tpu.dma_semaphore, #tpu.memory_space<semaphore_mem>>)
      %dma_wait3A_346 = tpu.memref_slice %arg2[%mul3A_4] : memref<8192xi32, #tpu.memory_space<hbm>> -> memref<256xi32, #tpu.memory_space<hbm>>
      %dma_wait3A_347 = tpu.memref_slice %arg2[%mul3A_4] : memref<8192xi32, #tpu.memory_space<hbm>> -> memref<256xi32, #tpu.memory_space<hbm>>
      tpu.wait_dma2 semaphore(%run_scoped3A : memref<!tpu.dma_semaphore, #tpu.memory_space<semaphore_mem>>) src(%dma_wait3A_347 : memref<256xi32, #tpu.memory_space<hbm>>) dst(%arg5 : memref<256xi32, #tpu.memory_space<vmem>>)
      tpu.yield
    }) : () -> ()
    "tpu.region"() ({
      %run_scoped3A = tpu.sem_alloc : memref<!tpu.dma_semaphore, #tpu.memory_space<semaphore_mem>>
      tpu.enqueue_dma source(%arg3 : memref<16xi32, #tpu.memory_space<hbm>>) target(%arg6 : memref<16xi32, #tpu.memory_space<vmem>>) target_semaphore(%run_scoped3A : memref<!tpu.dma_semaphore, #tpu.memory_space<semaphore_mem>>)
      tpu.wait_dma2 semaphore(%run_scoped3A : memref<!tpu.dma_semaphore, #tpu.memory_space<semaphore_mem>>) src(%arg3 : memref<16xi32, #tpu.memory_space<hbm>>) dst(%arg6 : memref<16xi32, #tpu.memory_space<vmem>>)
      tpu.yield
    }) : () -> ()
    %scan3A = arith.constant 0 : i32
    %scan3A_5 = arith.constant 0 : i32
    %scan3A_6 = arith.constant 8 : i32
    %scan3A_7 = arith.addi %scan3A_5, %scan3A_6 : i32
    %scan3A_8 = arith.constant 1 : i32
    scf.for %scan3A_344 = %scan3A_5 to %scan3A_7 step %scan3A_8  : i32 {
      %broadcast_in_dim3A_345 = arith.constant 0.000000e+00 : f32
      %broadcast_in_dim3A_346 = vector.broadcast %broadcast_in_dim3A_345 : f32 to vector<16xf32>
      %mul3A_347 = arith.constant 128 : i32
      %mul3A_348 = arith.muli %scan3A_344, %mul3A_347 : i32
      %add3A_349 = arith.constant 0 : i32
      %add3A_350 = arith.addi %mul3A_348, %add3A_349 : i32
      %swap3A = arith.index_cast %add3A_350 : i32 to index
      %swap3A_351 = tpu.vector_load %arg7[%swap3A] {strides = array<i32>} : memref<1024xf32, #tpu.memory_space<vmem>>, vector<16xf32>,
      tpu.vector_store %arg7[%swap3A], %broadcast_in_dim3A_346 {strides = array<i32>} : memref<1024xf32, #tpu.memory_space<vmem>>, vector<16xf32>,
      %broadcast_in_dim3A_352 = arith.constant 0.000000e+00 : f32
      %broadcast_in_dim3A_353 = vector.broadcast %broadcast_in_dim3A_352 : f32 to vector<16xf32>
      %mul3A_354 = arith.constant 128 : i32
      %mul3A_355 = arith.muli %scan3A_344, %mul3A_354 : i32
      %add3A_356 = arith.constant 16 : i32
      %add3A_357 = arith.addi %mul3A_355, %add3A_356 : i32
      %swap3A_358 = arith.index_cast %add3A_357 : i32 to index
      %swap3A_359 = tpu.vector_load %arg7[%swap3A_358] {strides = array<i32>} : memref<1024xf32, #tpu.memory_space<vmem>>, vector<16xf32>,
      tpu.vector_store %arg7[%swap3A_358], %broadcast_in_dim3A_353 {strides = array<i32>} : memref<1024xf32, #tpu.memory_space<vmem>>, vector<16xf32>,
      %broadcast_in_dim3A_360 = arith.constant 0.000000e+00 : f32
      %broadcast_in_dim3A_361 = vector.broadcast %broadcast_in_dim3A_360 : f32 to vector<16xf32>
      %mul3A_362 = arith.constant 128 : i32
      %mul3A_363 = arith.muli %scan3A_344, %mul3A_362 : i32
      %add3A_364 = arith.constant 32 : i32
      %add3A_365 = arith.addi %mul3A_363, %add3A_364 : i32
      %swap3A_366 = arith.index_cast %add3A_365 : i32 to index
      %swap3A_367 = tpu.vector_load %arg7[%swap3A_366] {strides = array<i32>} : memref<1024xf32, #tpu.memory_space<vmem>>, vector<16xf32>,
      tpu.vector_store %arg7[%swap3A_366], %broadcast_in_dim3A_361 {strides = array<i32>} : memref<1024xf32, #tpu.memory_space<vmem>>, vector<16xf32>,
      %broadcast_in_dim3A_368 = arith.constant 0.000000e+00 : f32
      %broadcast_in_dim3A_369 = vector.broadcast %broadcast_in_dim3A_368 : f32 to vector<16xf32>
      %mul3A_370 = arith.constant 128 : i32
      %mul3A_371 = arith.muli %scan3A_344, %mul3A_370 : i32
      %add3A_372 = arith.constant 48 : i32
      %add3A_373 = arith.addi %mul3A_371, %add3A_372 : i32
      %swap3A_374 = arith.index_cast %add3A_373 : i32 to index
      %swap3A_375 = tpu.vector_load %arg7[%swap3A_374] {strides = array<i32>} : memref<1024xf32, #tpu.memory_space<vmem>>, vector<16xf32>,
      tpu.vector_store %arg7[%swap3A_374], %broadcast_in_dim3A_369 {strides = array<i32>} : memref<1024xf32, #tpu.memory_space<vmem>>, vector<16xf32>,
      %broadcast_in_dim3A_376 = arith.constant 0.000000e+00 : f32
      %broadcast_in_dim3A_377 = vector.broadcast %broadcast_in_dim3A_376 : f32 to vector<16xf32>
      %mul3A_378 = arith.constant 128 : i32
      %mul3A_379 = arith.muli %scan3A_344, %mul3A_378 : i32
      %add3A_380 = arith.constant 64 : i32
      %add3A_381 = arith.addi %mul3A_379, %add3A_380 : i32
      %swap3A_382 = arith.index_cast %add3A_381 : i32 to index
      %swap3A_383 = tpu.vector_load %arg7[%swap3A_382] {strides = array<i32>} : memref<1024xf32, #tpu.memory_space<vmem>>, vector<16xf32>,
      tpu.vector_store %arg7[%swap3A_382], %broadcast_in_dim3A_377 {strides = array<i32>} : memref<1024xf32, #tpu.memory_space<vmem>>, vector<16xf32>,
      %broadcast_in_dim3A_384 = arith.constant 0.000000e+00 : f32
      %broadcast_in_dim3A_385 = vector.broadcast %broadcast_in_dim3A_384 : f32 to vector<16xf32>
      %mul3A_386 = arith.constant 128 : i32
      %mul3A_387 = arith.muli %scan3A_344, %mul3A_386 : i32
      %add3A_388 = arith.constant 80 : i32
      %add3A_389 = arith.addi %mul3A_387, %add3A_388 : i32
      %swap3A_390 = arith.index_cast %add3A_389 : i32 to index
      %swap3A_391 = tpu.vector_load %arg7[%swap3A_390] {strides = array<i32>} : memref<1024xf32, #tpu.memory_space<vmem>>, vector<16xf32>,
      tpu.vector_store %arg7[%swap3A_390], %broadcast_in_dim3A_385 {strides = array<i32>} : memref<1024xf32, #tpu.memory_space<vmem>>, vector<16xf32>,
      %broadcast_in_dim3A_392 = arith.constant 0.000000e+00 : f32
      %broadcast_in_dim3A_393 = vector.broadcast %broadcast_in_dim3A_392 : f32 to vector<16xf32>
      %mul3A_394 = arith.constant 128 : i32
      %mul3A_395 = arith.muli %scan3A_344, %mul3A_394 : i32
      %add3A_396 = arith.constant 96 : i32
      %add3A_397 = arith.addi %mul3A_395, %add3A_396 : i32
      %swap3A_398 = arith.index_cast %add3A_397 : i32 to index
      %swap3A_399 = tpu.vector_load %arg7[%swap3A_398] {strides = array<i32>} : memref<1024xf32, #tpu.memory_space<vmem>>, vector<16xf32>,
      tpu.vector_store %arg7[%swap3A_398], %broadcast_in_dim3A_393 {strides = array<i32>} : memref<1024xf32, #tpu.memory_space<vmem>>, vector<16xf32>,
      %broadcast_in_dim3A_400 = arith.constant 0.000000e+00 : f32
      %broadcast_in_dim3A_401 = vector.broadcast %broadcast_in_dim3A_400 : f32 to vector<16xf32>
      %mul3A_402 = arith.constant 128 : i32
      %mul3A_403 = arith.muli %scan3A_344, %mul3A_402 : i32
      %add3A_404 = arith.constant 112 : i32
      %add3A_405 = arith.addi %mul3A_403, %add3A_404 : i32
      %swap3A_406 = arith.index_cast %add3A_405 : i32 to index
      %swap3A_407 = tpu.vector_load %arg7[%swap3A_406] {strides = array<i32>} : memref<1024xf32, #tpu.memory_space<vmem>>, vector<16xf32>,
      tpu.vector_store %arg7[%swap3A_406], %broadcast_in_dim3A_401 {strides = array<i32>} : memref<1024xf32, #tpu.memory_space<vmem>>, vector<16xf32>,
    }
    %scan3A_9 = arith.constant 8 : i32
    %iota3A = tpu.iota {dimensions = array<i32: 0>} : vector<16xi32>
    %broadcast_in_dim3A = arith.constant 1.000000e+00 : f32
    %broadcast_in_dim3A_10 = vector.broadcast %broadcast_in_dim3A : f32 to vector<16xf32>
    %add3A_11 = arith.constant 0 : i32
    %add3A_12 = vector.broadcast %add3A_11 : i32 to vector<16xi32>
    %add3A_13 = arith.addi %add3A_12, %iota3A : vector<16xi32>
    %mul3A_14 = arith.constant 2 : i32
    %mul3A_15 = vector.broadcast %mul3A_14 : i32 to vector<16xi32>
    %mul3A_16 = arith.muli %mul3A_15, %add3A_13 : vector<16xi32>
    %gather3A = tpu.vector_load_idx %arg5[%mul3A_16] : memref<256xi32, #tpu.memory_space<vmem>>[vector<16xi32>], vector<16xi32>,
    %mul3A_17 = arith.constant 2 : i32
    %mul3A_18 = vector.broadcast %mul3A_17 : i32 to vector<16xi32>
    %mul3A_19 = arith.muli %mul3A_18, %add3A_13 : vector<16xi32>
    %add3A_20 = arith.constant 1 : i32
    %add3A_21 = vector.broadcast %add3A_20 : i32 to vector<16xi32>
    %add3A_22 = arith.addi %mul3A_19, %add3A_21 : vector<16xi32>
    %gather3A_23 = tpu.vector_load_idx %arg5[%add3A_22] : memref<256xi32, #tpu.memory_space<vmem>>[vector<16xi32>], vector<16xi32>,
    %gather3A_24 = tpu.vector_load_idx %arg6[%gather3A] : memref<16xi32, #tpu.memory_space<vmem>>[vector<16xi32>], vector<16xi32>,
    %gather3A_25 = tpu.vector_load_idx %arg6[%gather3A_23] : memref<16xi32, #tpu.memory_space<vmem>>[vector<16xi32>], vector<16xi32>,
    %mul3A_26 = arith.constant 128 : i32
    %mul3A_27 = vector.broadcast %mul3A_26 : i32 to vector<16xi32>
    %mul3A_28 = arith.muli %gather3A_24, %mul3A_27 : vector<16xi32>
    %add3A_29 = arith.addi %mul3A_28, %add3A_13 : vector<16xi32>
    tpu.vector_store_idx %arg7[%add3A_29], %broadcast_in_dim3A_10 : memref<1024xf32, #tpu.memory_space<vmem>>[vector<16xi32>], vector<16xf32>,
    %mul3A_30 = arith.constant 128 : i32
    %mul3A_31 = vector.broadcast %mul3A_30 : i32 to vector<16xi32>
    %mul3A_32 = arith.muli %gather3A_25, %mul3A_31 : vector<16xi32>
    %add3A_33 = arith.addi %mul3A_32, %add3A_13 : vector<16xi32>
    tpu.vector_store_idx %arg7[%add3A_33], %broadcast_in_dim3A_10 : memref<1024xf32, #tpu.memory_space<vmem>>[vector<16xi32>], vector<16xf32>,
    %add3A_34 = arith.constant 16 : i32
    %add3A_35 = vector.broadcast %add3A_34 : i32 to vector<16xi32>
    %add3A_36 = arith.addi %add3A_35, %iota3A : vector<16xi32>
    %mul3A_37 = arith.constant 2 : i32
    %mul3A_38 = vector.broadcast %mul3A_37 : i32 to vector<16xi32>
    %mul3A_39 = arith.muli %mul3A_38, %add3A_36 : vector<16xi32>
    %gather3A_40 = tpu.vector_load_idx %arg5[%mul3A_39] : memref<256xi32, #tpu.memory_space<vmem>>[vector<16xi32>], vector<16xi32>,
    %mul3A_41 = arith.constant 2 : i32
    %mul3A_42 = vector.broadcast %mul3A_41 : i32 to vector<16xi32>
    %mul3A_43 = arith.muli %mul3A_42, %add3A_36 : vector<16xi32>
    %add3A_44 = arith.constant 1 : i32
    %add3A_45 = vector.broadcast %add3A_44 : i32 to vector<16xi32>
    %add3A_46 = arith.addi %mul3A_43, %add3A_45 : vector<16xi32>
    %gather3A_47 = tpu.vector_load_idx %arg5[%add3A_46] : memref<256xi32, #tpu.memory_space<vmem>>[vector<16xi32>], vector<16xi32>,
    %gather3A_48 = tpu.vector_load_idx %arg6[%gather3A_40] : memref<16xi32, #tpu.memory_space<vmem>>[vector<16xi32>], vector<16xi32>,
    %gather3A_49 = tpu.vector_load_idx %arg6[%gather3A_47] : memref<16xi32, #tpu.memory_space<vmem>>[vector<16xi32>], vector<16xi32>,
    %mul3A_50 = arith.constant 128 : i32
    %mul3A_51 = vector.broadcast %mul3A_50 : i32 to vector<16xi32>
    %mul3A_52 = arith.muli %gather3A_48, %mul3A_51 : vector<16xi32>
    %add3A_53 = arith.addi %mul3A_52, %add3A_36 : vector<16xi32>
    tpu.vector_store_idx %arg7[%add3A_53], %broadcast_in_dim3A_10 : memref<1024xf32, #tpu.memory_space<vmem>>[vector<16xi32>], vector<16xf32>,
    %mul3A_54 = arith.constant 128 : i32
    %mul3A_55 = vector.broadcast %mul3A_54 : i32 to vector<16xi32>
    %mul3A_56 = arith.muli %gather3A_49, %mul3A_55 : vector<16xi32>
    %add3A_57 = arith.addi %mul3A_56, %add3A_36 : vector<16xi32>
    tpu.vector_store_idx %arg7[%add3A_57], %broadcast_in_dim3A_10 : memref<1024xf32, #tpu.memory_space<vmem>>[vector<16xi32>], vector<16xf32>,
    %add3A_58 = arith.constant 32 : i32
    %add3A_59 = vector.broadcast %add3A_58 : i32 to vector<16xi32>
    %add3A_60 = arith.addi %add3A_59, %iota3A : vector<16xi32>
    %mul3A_61 = arith.constant 2 : i32
    %mul3A_62 = vector.broadcast %mul3A_61 : i32 to vector<16xi32>
    %mul3A_63 = arith.muli %mul3A_62, %add3A_60 : vector<16xi32>
    %gather3A_64 = tpu.vector_load_idx %arg5[%mul3A_63] : memref<256xi32, #tpu.memory_space<vmem>>[vector<16xi32>], vector<16xi32>,
    %mul3A_65 = arith.constant 2 : i32
    %mul3A_66 = vector.broadcast %mul3A_65 : i32 to vector<16xi32>
    %mul3A_67 = arith.muli %mul3A_66, %add3A_60 : vector<16xi32>
    %add3A_68 = arith.constant 1 : i32
    %add3A_69 = vector.broadcast %add3A_68 : i32 to vector<16xi32>
    %add3A_70 = arith.addi %mul3A_67, %add3A_69 : vector<16xi32>
    %gather3A_71 = tpu.vector_load_idx %arg5[%add3A_70] : memref<256xi32, #tpu.memory_space<vmem>>[vector<16xi32>], vector<16xi32>,
    %gather3A_72 = tpu.vector_load_idx %arg6[%gather3A_64] : memref<16xi32, #tpu.memory_space<vmem>>[vector<16xi32>], vector<16xi32>,
    %gather3A_73 = tpu.vector_load_idx %arg6[%gather3A_71] : memref<16xi32, #tpu.memory_space<vmem>>[vector<16xi32>], vector<16xi32>,
    %mul3A_74 = arith.constant 128 : i32
    %mul3A_75 = vector.broadcast %mul3A_74 : i32 to vector<16xi32>
    %mul3A_76 = arith.muli %gather3A_72, %mul3A_75 : vector<16xi32>
    %add3A_77 = arith.addi %mul3A_76, %add3A_60 : vector<16xi32>
    tpu.vector_store_idx %arg7[%add3A_77], %broadcast_in_dim3A_10 : memref<1024xf32, #tpu.memory_space<vmem>>[vector<16xi32>], vector<16xf32>,
    %mul3A_78 = arith.constant 128 : i32
    %mul3A_79 = vector.broadcast %mul3A_78 : i32 to vector<16xi32>
    %mul3A_80 = arith.muli %gather3A_73, %mul3A_79 : vector<16xi32>
    %add3A_81 = arith.addi %mul3A_80, %add3A_60 : vector<16xi32>
    tpu.vector_store_idx %arg7[%add3A_81], %broadcast_in_dim3A_10 : memref<1024xf32, #tpu.memory_space<vmem>>[vector<16xi32>], vector<16xf32>,
    %add3A_82 = arith.constant 48 : i32
    %add3A_83 = vector.broadcast %add3A_82 : i32 to vector<16xi32>
    %add3A_84 = arith.addi %add3A_83, %iota3A : vector<16xi32>
    %mul3A_85 = arith.constant 2 : i32
    %mul3A_86 = vector.broadcast %mul3A_85 : i32 to vector<16xi32>
    %mul3A_87 = arith.muli %mul3A_86, %add3A_84 : vector<16xi32>
    %gather3A_88 = tpu.vector_load_idx %arg5[%mul3A_87] : memref<256xi32, #tpu.memory_space<vmem>>[vector<16xi32>], vector<16xi32>,
    %mul3A_89 = arith.constant 2 : i32
    %mul3A_90 = vector.broadcast %mul3A_89 : i32 to vector<16xi32>
    %mul3A_91 = arith.muli %mul3A_90, %add3A_84 : vector<16xi32>
    %add3A_92 = arith.constant 1 : i32
    %add3A_93 = vector.broadcast %add3A_92 : i32 to vector<16xi32>
    %add3A_94 = arith.addi %mul3A_91, %add3A_93 : vector<16xi32>
    %gather3A_95 = tpu.vector_load_idx %arg5[%add3A_94] : memref<256xi32, #tpu.memory_space<vmem>>[vector<16xi32>], vector<16xi32>,
    %gather3A_96 = tpu.vector_load_idx %arg6[%gather3A_88] : memref<16xi32, #tpu.memory_space<vmem>>[vector<16xi32>], vector<16xi32>,
    %gather3A_97 = tpu.vector_load_idx %arg6[%gather3A_95] : memref<16xi32, #tpu.memory_space<vmem>>[vector<16xi32>], vector<16xi32>,
    %mul3A_98 = arith.constant 128 : i32
    %mul3A_99 = vector.broadcast %mul3A_98 : i32 to vector<16xi32>
    %mul3A_100 = arith.muli %gather3A_96, %mul3A_99 : vector<16xi32>
    %add3A_101 = arith.addi %mul3A_100, %add3A_84 : vector<16xi32>
    tpu.vector_store_idx %arg7[%add3A_101], %broadcast_in_dim3A_10 : memref<1024xf32, #tpu.memory_space<vmem>>[vector<16xi32>], vector<16xf32>,
    %mul3A_102 = arith.constant 128 : i32
    %mul3A_103 = vector.broadcast %mul3A_102 : i32 to vector<16xi32>
    %mul3A_104 = arith.muli %gather3A_97, %mul3A_103 : vector<16xi32>
    %add3A_105 = arith.addi %mul3A_104, %add3A_84 : vector<16xi32>
    tpu.vector_store_idx %arg7[%add3A_105], %broadcast_in_dim3A_10 : memref<1024xf32, #tpu.memory_space<vmem>>[vector<16xi32>], vector<16xf32>,
    %add3A_106 = arith.constant 64 : i32
    %add3A_107 = vector.broadcast %add3A_106 : i32 to vector<16xi32>
    %add3A_108 = arith.addi %add3A_107, %iota3A : vector<16xi32>
    %mul3A_109 = arith.constant 2 : i32
    %mul3A_110 = vector.broadcast %mul3A_109 : i32 to vector<16xi32>
    %mul3A_111 = arith.muli %mul3A_110, %add3A_108 : vector<16xi32>
    %gather3A_112 = tpu.vector_load_idx %arg5[%mul3A_111] : memref<256xi32, #tpu.memory_space<vmem>>[vector<16xi32>], vector<16xi32>,
    %mul3A_113 = arith.constant 2 : i32
    %mul3A_114 = vector.broadcast %mul3A_113 : i32 to vector<16xi32>
    %mul3A_115 = arith.muli %mul3A_114, %add3A_108 : vector<16xi32>
    %add3A_116 = arith.constant 1 : i32
    %add3A_117 = vector.broadcast %add3A_116 : i32 to vector<16xi32>
    %add3A_118 = arith.addi %mul3A_115, %add3A_117 : vector<16xi32>
    %gather3A_119 = tpu.vector_load_idx %arg5[%add3A_118] : memref<256xi32, #tpu.memory_space<vmem>>[vector<16xi32>], vector<16xi32>,
    %gather3A_120 = tpu.vector_load_idx %arg6[%gather3A_112] : memref<16xi32, #tpu.memory_space<vmem>>[vector<16xi32>], vector<16xi32>,
    %gather3A_121 = tpu.vector_load_idx %arg6[%gather3A_119] : memref<16xi32, #tpu.memory_space<vmem>>[vector<16xi32>], vector<16xi32>,
    %mul3A_122 = arith.constant 128 : i32
    %mul3A_123 = vector.broadcast %mul3A_122 : i32 to vector<16xi32>
    %mul3A_124 = arith.muli %gather3A_120, %mul3A_123 : vector<16xi32>
    %add3A_125 = arith.addi %mul3A_124, %add3A_108 : vector<16xi32>
    tpu.vector_store_idx %arg7[%add3A_125], %broadcast_in_dim3A_10 : memref<1024xf32, #tpu.memory_space<vmem>>[vector<16xi32>], vector<16xf32>,
    %mul3A_126 = arith.constant 128 : i32
    %mul3A_127 = vector.broadcast %mul3A_126 : i32 to vector<16xi32>
    %mul3A_128 = arith.muli %gather3A_121, %mul3A_127 : vector<16xi32>
    %add3A_129 = arith.addi %mul3A_128, %add3A_108 : vector<16xi32>
    tpu.vector_store_idx %arg7[%add3A_129], %broadcast_in_dim3A_10 : memref<1024xf32, #tpu.memory_space<vmem>>[vector<16xi32>], vector<16xf32>,
    %add3A_130 = arith.constant 80 : i32
    %add3A_131 = vector.broadcast %add3A_130 : i32 to vector<16xi32>
    %add3A_132 = arith.addi %add3A_131, %iota3A : vector<16xi32>
    %mul3A_133 = arith.constant 2 : i32
    %mul3A_134 = vector.broadcast %mul3A_133 : i32 to vector<16xi32>
    %mul3A_135 = arith.muli %mul3A_134, %add3A_132 : vector<16xi32>
    %gather3A_136 = tpu.vector_load_idx %arg5[%mul3A_135] : memref<256xi32, #tpu.memory_space<vmem>>[vector<16xi32>], vector<16xi32>,
    %mul3A_137 = arith.constant 2 : i32
    %mul3A_138 = vector.broadcast %mul3A_137 : i32 to vector<16xi32>
    %mul3A_139 = arith.muli %mul3A_138, %add3A_132 : vector<16xi32>
    %add3A_140 = arith.constant 1 : i32
    %add3A_141 = vector.broadcast %add3A_140 : i32 to vector<16xi32>
    %add3A_142 = arith.addi %mul3A_139, %add3A_141 : vector<16xi32>
    %gather3A_143 = tpu.vector_load_idx %arg5[%add3A_142] : memref<256xi32, #tpu.memory_space<vmem>>[vector<16xi32>], vector<16xi32>,
    %gather3A_144 = tpu.vector_load_idx %arg6[%gather3A_136] : memref<16xi32, #tpu.memory_space<vmem>>[vector<16xi32>], vector<16xi32>,
    %gather3A_145 = tpu.vector_load_idx %arg6[%gather3A_143] : memref<16xi32, #tpu.memory_space<vmem>>[vector<16xi32>], vector<16xi32>,
    %mul3A_146 = arith.constant 128 : i32
    %mul3A_147 = vector.broadcast %mul3A_146 : i32 to vector<16xi32>
    %mul3A_148 = arith.muli %gather3A_144, %mul3A_147 : vector<16xi32>
    %add3A_149 = arith.addi %mul3A_148, %add3A_132 : vector<16xi32>
    tpu.vector_store_idx %arg7[%add3A_149], %broadcast_in_dim3A_10 : memref<1024xf32, #tpu.memory_space<vmem>>[vector<16xi32>], vector<16xf32>,
    %mul3A_150 = arith.constant 128 : i32
    %mul3A_151 = vector.broadcast %mul3A_150 : i32 to vector<16xi32>
    %mul3A_152 = arith.muli %gather3A_145, %mul3A_151 : vector<16xi32>
    %add3A_153 = arith.addi %mul3A_152, %add3A_132 : vector<16xi32>
    tpu.vector_store_idx %arg7[%add3A_153], %broadcast_in_dim3A_10 : memref<1024xf32, #tpu.memory_space<vmem>>[vector<16xi32>], vector<16xf32>,
    %add3A_154 = arith.constant 96 : i32
    %add3A_155 = vector.broadcast %add3A_154 : i32 to vector<16xi32>
    %add3A_156 = arith.addi %add3A_155, %iota3A : vector<16xi32>
    %mul3A_157 = arith.constant 2 : i32
    %mul3A_158 = vector.broadcast %mul3A_157 : i32 to vector<16xi32>
    %mul3A_159 = arith.muli %mul3A_158, %add3A_156 : vector<16xi32>
    %gather3A_160 = tpu.vector_load_idx %arg5[%mul3A_159] : memref<256xi32, #tpu.memory_space<vmem>>[vector<16xi32>], vector<16xi32>,
    %mul3A_161 = arith.constant 2 : i32
    %mul3A_162 = vector.broadcast %mul3A_161 : i32 to vector<16xi32>
    %mul3A_163 = arith.muli %mul3A_162, %add3A_156 : vector<16xi32>
    %add3A_164 = arith.constant 1 : i32
    %add3A_165 = vector.broadcast %add3A_164 : i32 to vector<16xi32>
    %add3A_166 = arith.addi %mul3A_163, %add3A_165 : vector<16xi32>
    %gather3A_167 = tpu.vector_load_idx %arg5[%add3A_166] : memref<256xi32, #tpu.memory_space<vmem>>[vector<16xi32>], vector<16xi32>,
    %gather3A_168 = tpu.vector_load_idx %arg6[%gather3A_160] : memref<16xi32, #tpu.memory_space<vmem>>[vector<16xi32>], vector<16xi32>,
    %gather3A_169 = tpu.vector_load_idx %arg6[%gather3A_167] : memref<16xi32, #tpu.memory_space<vmem>>[vector<16xi32>], vector<16xi32>,
    %mul3A_170 = arith.constant 128 : i32
    %mul3A_171 = vector.broadcast %mul3A_170 : i32 to vector<16xi32>
    %mul3A_172 = arith.muli %gather3A_168, %mul3A_171 : vector<16xi32>
    %add3A_173 = arith.addi %mul3A_172, %add3A_156 : vector<16xi32>
    tpu.vector_store_idx %arg7[%add3A_173], %broadcast_in_dim3A_10 : memref<1024xf32, #tpu.memory_space<vmem>>[vector<16xi32>], vector<16xf32>,
    %mul3A_174 = arith.constant 128 : i32
    %mul3A_175 = vector.broadcast %mul3A_174 : i32 to vector<16xi32>
    %mul3A_176 = arith.muli %gather3A_169, %mul3A_175 : vector<16xi32>
    %add3A_177 = arith.addi %mul3A_176, %add3A_156 : vector<16xi32>
    tpu.vector_store_idx %arg7[%add3A_177], %broadcast_in_dim3A_10 : memref<1024xf32, #tpu.memory_space<vmem>>[vector<16xi32>], vector<16xf32>,
    %add3A_178 = arith.constant 112 : i32
    %add3A_179 = vector.broadcast %add3A_178 : i32 to vector<16xi32>
    %add3A_180 = arith.addi %add3A_179, %iota3A : vector<16xi32>
    %mul3A_181 = arith.constant 2 : i32
    %mul3A_182 = vector.broadcast %mul3A_181 : i32 to vector<16xi32>
    %mul3A_183 = arith.muli %mul3A_182, %add3A_180 : vector<16xi32>
    %gather3A_184 = tpu.vector_load_idx %arg5[%mul3A_183] : memref<256xi32, #tpu.memory_space<vmem>>[vector<16xi32>], vector<16xi32>,
    %mul3A_185 = arith.constant 2 : i32
    %mul3A_186 = vector.broadcast %mul3A_185 : i32 to vector<16xi32>
    %mul3A_187 = arith.muli %mul3A_186, %add3A_180 : vector<16xi32>
    %add3A_188 = arith.constant 1 : i32
    %add3A_189 = vector.broadcast %add3A_188 : i32 to vector<16xi32>
    %add3A_190 = arith.addi %mul3A_187, %add3A_189 : vector<16xi32>
    %gather3A_191 = tpu.vector_load_idx %arg5[%add3A_190] : memref<256xi32, #tpu.memory_space<vmem>>[vector<16xi32>], vector<16xi32>,
    %gather3A_192 = tpu.vector_load_idx %arg6[%gather3A_184] : memref<16xi32, #tpu.memory_space<vmem>>[vector<16xi32>], vector<16xi32>,
    %gather3A_193 = tpu.vector_load_idx %arg6[%gather3A_191] : memref<16xi32, #tpu.memory_space<vmem>>[vector<16xi32>], vector<16xi32>,
    %mul3A_194 = arith.constant 128 : i32
    %mul3A_195 = vector.broadcast %mul3A_194 : i32 to vector<16xi32>
    %mul3A_196 = arith.muli %gather3A_192, %mul3A_195 : vector<16xi32>
    %add3A_197 = arith.addi %mul3A_196, %add3A_180 : vector<16xi32>
    tpu.vector_store_idx %arg7[%add3A_197], %broadcast_in_dim3A_10 : memref<1024xf32, #tpu.memory_space<vmem>>[vector<16xi32>], vector<16xf32>,
    %mul3A_198 = arith.constant 128 : i32
    %mul3A_199 = vector.broadcast %mul3A_198 : i32 to vector<16xi32>
    %mul3A_200 = arith.muli %gather3A_193, %mul3A_199 : vector<16xi32>
    %add3A_201 = arith.addi %mul3A_200, %add3A_180 : vector<16xi32>
    tpu.vector_store_idx %arg7[%add3A_201], %broadcast_in_dim3A_10 : memref<1024xf32, #tpu.memory_space<vmem>>[vector<16xi32>], vector<16xf32>,
    %dma_start3A = arith.constant 0 : i32
    %dma_start3A_202 = arith.constant 0 : i32
    %dma_start3A_203 = tpu.memref_slice %arg7[%dma_start3A_202] : memref<1024xf32, #tpu.memory_space<vmem>> -> memref<128xf32, #tpu.memory_space<vmem>>
    %dma_start3A_204 = tpu.memref_slice %arg4[%dma_start3A, %mul3A_2] : memref<8x4096xf32, #tpu.memory_space<hbm>> -> memref<1x128xf32, #tpu.memory_space<hbm>>
    %dma_start3A_205 = tpu.memref_squeeze %dma_start3A_204 : memref<1x128xf32, #tpu.memory_space<hbm>> -> memref<128xf32, #tpu.memory_space<hbm>>
    %dma_start3A_206 = tpu.memref_slice %arg4[%dma_start3A, %mul3A_2] : memref<8x4096xf32, #tpu.memory_space<hbm>> -> memref<1x128xf32, #tpu.memory_space<hbm>>
    %dma_start3A_207 = tpu.memref_squeeze %dma_start3A_206 : memref<1x128xf32, #tpu.memory_space<hbm>> -> memref<128xf32, #tpu.memory_space<hbm>>
    %dma_start3A_208 = arith.constant 0 : i32
    %dma_start3A_209 = tpu.memref_slice %arg7[%dma_start3A_208] : memref<1024xf32, #tpu.memory_space<vmem>> -> memref<128xf32, #tpu.memory_space<vmem>>
    tpu.enqueue_dma source(%dma_start3A_209 : memref<128xf32, #tpu.memory_space<vmem>>) target(%dma_start3A_207 : memref<128xf32, #tpu.memory_space<hbm>>) target_semaphore(%arg8 : memref<!tpu.dma_semaphore, #tpu.memory_space<semaphore_mem>>)
    %dma_start3A_210 = arith.constant 1 : i32
    %dma_start3A_211 = arith.constant 128 : i32
    %dma_start3A_212 = tpu.memref_slice %arg7[%dma_start3A_211] : memref<1024xf32, #tpu.memory_space<vmem>> -> memref<128xf32, #tpu.memory_space<vmem>>
    %dma_start3A_213 = tpu.memref_slice %arg4[%dma_start3A_210, %mul3A_2] : memref<8x4096xf32, #tpu.memory_space<hbm>> -> memref<1x128xf32, #tpu.memory_space<hbm>>
    %dma_start3A_214 = tpu.memref_squeeze %dma_start3A_213 : memref<1x128xf32, #tpu.memory_space<hbm>> -> memref<128xf32, #tpu.memory_space<hbm>>
    %dma_start3A_215 = tpu.memref_slice %arg4[%dma_start3A_210, %mul3A_2] : memref<8x4096xf32, #tpu.memory_space<hbm>> -> memref<1x128xf32, #tpu.memory_space<hbm>>
    %dma_start3A_216 = tpu.memref_squeeze %dma_start3A_215 : memref<1x128xf32, #tpu.memory_space<hbm>> -> memref<128xf32, #tpu.memory_space<hbm>>
    %dma_start3A_217 = arith.constant 128 : i32
    %dma_start3A_218 = tpu.memref_slice %arg7[%dma_start3A_217] : memref<1024xf32, #tpu.memory_space<vmem>> -> memref<128xf32, #tpu.memory_space<vmem>>
    tpu.enqueue_dma source(%dma_start3A_218 : memref<128xf32, #tpu.memory_space<vmem>>) target(%dma_start3A_216 : memref<128xf32, #tpu.memory_space<hbm>>) target_semaphore(%arg8 : memref<!tpu.dma_semaphore, #tpu.memory_space<semaphore_mem>>)
    %dma_start3A_219 = arith.constant 2 : i32
    %dma_start3A_220 = arith.constant 256 : i32
    %dma_start3A_221 = tpu.memref_slice %arg7[%dma_start3A_220] : memref<1024xf32, #tpu.memory_space<vmem>> -> memref<128xf32, #tpu.memory_space<vmem>>
    %dma_start3A_222 = tpu.memref_slice %arg4[%dma_start3A_219, %mul3A_2] : memref<8x4096xf32, #tpu.memory_space<hbm>> -> memref<1x128xf32, #tpu.memory_space<hbm>>
    %dma_start3A_223 = tpu.memref_squeeze %dma_start3A_222 : memref<1x128xf32, #tpu.memory_space<hbm>> -> memref<128xf32, #tpu.memory_space<hbm>>
    %dma_start3A_224 = tpu.memref_slice %arg4[%dma_start3A_219, %mul3A_2] : memref<8x4096xf32, #tpu.memory_space<hbm>> -> memref<1x128xf32, #tpu.memory_space<hbm>>
    %dma_start3A_225 = tpu.memref_squeeze %dma_start3A_224 : memref<1x128xf32, #tpu.memory_space<hbm>> -> memref<128xf32, #tpu.memory_space<hbm>>
    %dma_start3A_226 = arith.constant 256 : i32
    %dma_start3A_227 = tpu.memref_slice %arg7[%dma_start3A_226] : memref<1024xf32, #tpu.memory_space<vmem>> -> memref<128xf32, #tpu.memory_space<vmem>>
    tpu.enqueue_dma source(%dma_start3A_227 : memref<128xf32, #tpu.memory_space<vmem>>) target(%dma_start3A_225 : memref<128xf32, #tpu.memory_space<hbm>>) target_semaphore(%arg8 : memref<!tpu.dma_semaphore, #tpu.memory_space<semaphore_mem>>)
    %dma_start3A_228 = arith.constant 3 : i32
    %dma_start3A_229 = arith.constant 384 : i32
    %dma_start3A_230 = tpu.memref_slice %arg7[%dma_start3A_229] : memref<1024xf32, #tpu.memory_space<vmem>> -> memref<128xf32, #tpu.memory_space<vmem>>
    %dma_start3A_231 = tpu.memref_slice %arg4[%dma_start3A_228, %mul3A_2] : memref<8x4096xf32, #tpu.memory_space<hbm>> -> memref<1x128xf32, #tpu.memory_space<hbm>>
    %dma_start3A_232 = tpu.memref_squeeze %dma_start3A_231 : memref<1x128xf32, #tpu.memory_space<hbm>> -> memref<128xf32, #tpu.memory_space<hbm>>
    %dma_start3A_233 = tpu.memref_slice %arg4[%dma_start3A_228, %mul3A_2] : memref<8x4096xf32, #tpu.memory_space<hbm>> -> memref<1x128xf32, #tpu.memory_space<hbm>>
    %dma_start3A_234 = tpu.memref_squeeze %dma_start3A_233 : memref<1x128xf32, #tpu.memory_space<hbm>> -> memref<128xf32, #tpu.memory_space<hbm>>
    %dma_start3A_235 = arith.constant 384 : i32
    %dma_start3A_236 = tpu.memref_slice %arg7[%dma_start3A_235] : memref<1024xf32, #tpu.memory_space<vmem>> -> memref<128xf32, #tpu.memory_space<vmem>>
    tpu.enqueue_dma source(%dma_start3A_236 : memref<128xf32, #tpu.memory_space<vmem>>) target(%dma_start3A_234 : memref<128xf32, #tpu.memory_space<hbm>>) target_semaphore(%arg8 : memref<!tpu.dma_semaphore, #tpu.memory_space<semaphore_mem>>)
    %dma_start3A_237 = arith.constant 4 : i32
    %dma_start3A_238 = arith.constant 512 : i32
    %dma_start3A_239 = tpu.memref_slice %arg7[%dma_start3A_238] : memref<1024xf32, #tpu.memory_space<vmem>> -> memref<128xf32, #tpu.memory_space<vmem>>
    %dma_start3A_240 = tpu.memref_slice %arg4[%dma_start3A_237, %mul3A_2] : memref<8x4096xf32, #tpu.memory_space<hbm>> -> memref<1x128xf32, #tpu.memory_space<hbm>>
    %dma_start3A_241 = tpu.memref_squeeze %dma_start3A_240 : memref<1x128xf32, #tpu.memory_space<hbm>> -> memref<128xf32, #tpu.memory_space<hbm>>
    %dma_start3A_242 = tpu.memref_slice %arg4[%dma_start3A_237, %mul3A_2] : memref<8x4096xf32, #tpu.memory_space<hbm>> -> memref<1x128xf32, #tpu.memory_space<hbm>>
    %dma_start3A_243 = tpu.memref_squeeze %dma_start3A_242 : memref<1x128xf32, #tpu.memory_space<hbm>> -> memref<128xf32, #tpu.memory_space<hbm>>
    %dma_start3A_244 = arith.constant 512 : i32
    %dma_start3A_245 = tpu.memref_slice %arg7[%dma_start3A_244] : memref<1024xf32, #tpu.memory_space<vmem>> -> memref<128xf32, #tpu.memory_space<vmem>>
    tpu.enqueue_dma source(%dma_start3A_245 : memref<128xf32, #tpu.memory_space<vmem>>) target(%dma_start3A_243 : memref<128xf32, #tpu.memory_space<hbm>>) target_semaphore(%arg8 : memref<!tpu.dma_semaphore, #tpu.memory_space<semaphore_mem>>)
    %dma_start3A_246 = arith.constant 5 : i32
    %dma_start3A_247 = arith.constant 640 : i32
    %dma_start3A_248 = tpu.memref_slice %arg7[%dma_start3A_247] : memref<1024xf32, #tpu.memory_space<vmem>> -> memref<128xf32, #tpu.memory_space<vmem>>
    %dma_start3A_249 = tpu.memref_slice %arg4[%dma_start3A_246, %mul3A_2] : memref<8x4096xf32, #tpu.memory_space<hbm>> -> memref<1x128xf32, #tpu.memory_space<hbm>>
    %dma_start3A_250 = tpu.memref_squeeze %dma_start3A_249 : memref<1x128xf32, #tpu.memory_space<hbm>> -> memref<128xf32, #tpu.memory_space<hbm>>
    %dma_start3A_251 = tpu.memref_slice %arg4[%dma_start3A_246, %mul3A_2] : memref<8x4096xf32, #tpu.memory_space<hbm>> -> memref<1x128xf32, #tpu.memory_space<hbm>>
    %dma_start3A_252 = tpu.memref_squeeze %dma_start3A_251 : memref<1x128xf32, #tpu.memory_space<hbm>> -> memref<128xf32, #tpu.memory_space<hbm>>
    %dma_start3A_253 = arith.constant 640 : i32
    %dma_start3A_254 = tpu.memref_slice %arg7[%dma_start3A_253] : memref<1024xf32, #tpu.memory_space<vmem>> -> memref<128xf32, #tpu.memory_space<vmem>>
    tpu.enqueue_dma source(%dma_start3A_254 : memref<128xf32, #tpu.memory_space<vmem>>) target(%dma_start3A_252 : memref<128xf32, #tpu.memory_space<hbm>>) target_semaphore(%arg8 : memref<!tpu.dma_semaphore, #tpu.memory_space<semaphore_mem>>)
    %dma_start3A_255 = arith.constant 6 : i32
    %dma_start3A_256 = arith.constant 768 : i32
    %dma_start3A_257 = tpu.memref_slice %arg7[%dma_start3A_256] : memref<1024xf32, #tpu.memory_space<vmem>> -> memref<128xf32, #tpu.memory_space<vmem>>
    %dma_start3A_258 = tpu.memref_slice %arg4[%dma_start3A_255, %mul3A_2] : memref<8x4096xf32, #tpu.memory_space<hbm>> -> memref<1x128xf32, #tpu.memory_space<hbm>>
    %dma_start3A_259 = tpu.memref_squeeze %dma_start3A_258 : memref<1x128xf32, #tpu.memory_space<hbm>> -> memref<128xf32, #tpu.memory_space<hbm>>
    %dma_start3A_260 = tpu.memref_slice %arg4[%dma_start3A_255, %mul3A_2] : memref<8x4096xf32, #tpu.memory_space<hbm>> -> memref<1x128xf32, #tpu.memory_space<hbm>>
    %dma_start3A_261 = tpu.memref_squeeze %dma_start3A_260 : memref<1x128xf32, #tpu.memory_space<hbm>> -> memref<128xf32, #tpu.memory_space<hbm>>
    %dma_start3A_262 = arith.constant 768 : i32
    %dma_start3A_263 = tpu.memref_slice %arg7[%dma_start3A_262] : memref<1024xf32, #tpu.memory_space<vmem>> -> memref<128xf32, #tpu.memory_space<vmem>>
    tpu.enqueue_dma source(%dma_start3A_263 : memref<128xf32, #tpu.memory_space<vmem>>) target(%dma_start3A_261 : memref<128xf32, #tpu.memory_space<hbm>>) target_semaphore(%arg8 : memref<!tpu.dma_semaphore, #tpu.memory_space<semaphore_mem>>)
    %dma_start3A_264 = arith.constant 7 : i32
    %dma_start3A_265 = arith.constant 896 : i32
    %dma_start3A_266 = tpu.memref_slice %arg7[%dma_start3A_265] : memref<1024xf32, #tpu.memory_space<vmem>> -> memref<128xf32, #tpu.memory_space<vmem>>
    %dma_start3A_267 = tpu.memref_slice %arg4[%dma_start3A_264, %mul3A_2] : memref<8x4096xf32, #tpu.memory_space<hbm>> -> memref<1x128xf32, #tpu.memory_space<hbm>>
    %dma_start3A_268 = tpu.memref_squeeze %dma_start3A_267 : memref<1x128xf32, #tpu.memory_space<hbm>> -> memref<128xf32, #tpu.memory_space<hbm>>
    %dma_start3A_269 = tpu.memref_slice %arg4[%dma_start3A_264, %mul3A_2] : memref<8x4096xf32, #tpu.memory_space<hbm>> -> memref<1x128xf32, #tpu.memory_space<hbm>>
    %dma_start3A_270 = tpu.memref_squeeze %dma_start3A_269 : memref<1x128xf32, #tpu.memory_space<hbm>> -> memref<128xf32, #tpu.memory_space<hbm>>
    %dma_start3A_271 = arith.constant 896 : i32
    %dma_start3A_272 = tpu.memref_slice %arg7[%dma_start3A_271] : memref<1024xf32, #tpu.memory_space<vmem>> -> memref<128xf32, #tpu.memory_space<vmem>>
    tpu.enqueue_dma source(%dma_start3A_272 : memref<128xf32, #tpu.memory_space<vmem>>) target(%dma_start3A_270 : memref<128xf32, #tpu.memory_space<hbm>>) target_semaphore(%arg8 : memref<!tpu.dma_semaphore, #tpu.memory_space<semaphore_mem>>)
    %dma_wait3A = arith.constant 0 : i32
    %dma_wait3A_273 = arith.constant 0 : i32
    %dma_wait3A_274 = tpu.memref_slice %arg7[%dma_wait3A_273] : memref<1024xf32, #tpu.memory_space<vmem>> -> memref<128xf32, #tpu.memory_space<vmem>>
    %dma_wait3A_275 = tpu.memref_slice %arg4[%dma_wait3A, %mul3A_2] : memref<8x4096xf32, #tpu.memory_space<hbm>> -> memref<1x128xf32, #tpu.memory_space<hbm>>
    %dma_wait3A_276 = tpu.memref_squeeze %dma_wait3A_275 : memref<1x128xf32, #tpu.memory_space<hbm>> -> memref<128xf32, #tpu.memory_space<hbm>>
    %dma_wait3A_277 = tpu.memref_slice %arg4[%dma_wait3A, %mul3A_2] : memref<8x4096xf32, #tpu.memory_space<hbm>> -> memref<1x128xf32, #tpu.memory_space<hbm>>
    %dma_wait3A_278 = tpu.memref_squeeze %dma_wait3A_277 : memref<1x128xf32, #tpu.memory_space<hbm>> -> memref<128xf32, #tpu.memory_space<hbm>>
    %dma_wait3A_279 = arith.constant 0 : i32
    %dma_wait3A_280 = tpu.memref_slice %arg7[%dma_wait3A_279] : memref<1024xf32, #tpu.memory_space<vmem>> -> memref<128xf32, #tpu.memory_space<vmem>>
    tpu.wait_dma2 semaphore(%arg8 : memref<!tpu.dma_semaphore, #tpu.memory_space<semaphore_mem>>) src(%dma_wait3A_280 : memref<128xf32, #tpu.memory_space<vmem>>) dst(%dma_wait3A_278 : memref<128xf32, #tpu.memory_space<hbm>>)
    %dma_wait3A_281 = arith.constant 1 : i32
    %dma_wait3A_282 = arith.constant 128 : i32
    %dma_wait3A_283 = tpu.memref_slice %arg7[%dma_wait3A_282] : memref<1024xf32, #tpu.memory_space<vmem>> -> memref<128xf32, #tpu.memory_space<vmem>>
    %dma_wait3A_284 = tpu.memref_slice %arg4[%dma_wait3A_281, %mul3A_2] : memref<8x4096xf32, #tpu.memory_space<hbm>> -> memref<1x128xf32, #tpu.memory_space<hbm>>
    %dma_wait3A_285 = tpu.memref_squeeze %dma_wait3A_284 : memref<1x128xf32, #tpu.memory_space<hbm>> -> memref<128xf32, #tpu.memory_space<hbm>>
    %dma_wait3A_286 = tpu.memref_slice %arg4[%dma_wait3A_281, %mul3A_2] : memref<8x4096xf32, #tpu.memory_space<hbm>> -> memref<1x128xf32, #tpu.memory_space<hbm>>
    %dma_wait3A_287 = tpu.memref_squeeze %dma_wait3A_286 : memref<1x128xf32, #tpu.memory_space<hbm>> -> memref<128xf32, #tpu.memory_space<hbm>>
    %dma_wait3A_288 = arith.constant 128 : i32
    %dma_wait3A_289 = tpu.memref_slice %arg7[%dma_wait3A_288] : memref<1024xf32, #tpu.memory_space<vmem>> -> memref<128xf32, #tpu.memory_space<vmem>>
    tpu.wait_dma2 semaphore(%arg8 : memref<!tpu.dma_semaphore, #tpu.memory_space<semaphore_mem>>) src(%dma_wait3A_289 : memref<128xf32, #tpu.memory_space<vmem>>) dst(%dma_wait3A_287 : memref<128xf32, #tpu.memory_space<hbm>>)
    %dma_wait3A_290 = arith.constant 2 : i32
    %dma_wait3A_291 = arith.constant 256 : i32
    %dma_wait3A_292 = tpu.memref_slice %arg7[%dma_wait3A_291] : memref<1024xf32, #tpu.memory_space<vmem>> -> memref<128xf32, #tpu.memory_space<vmem>>
    %dma_wait3A_293 = tpu.memref_slice %arg4[%dma_wait3A_290, %mul3A_2] : memref<8x4096xf32, #tpu.memory_space<hbm>> -> memref<1x128xf32, #tpu.memory_space<hbm>>
    %dma_wait3A_294 = tpu.memref_squeeze %dma_wait3A_293 : memref<1x128xf32, #tpu.memory_space<hbm>> -> memref<128xf32, #tpu.memory_space<hbm>>
    %dma_wait3A_295 = tpu.memref_slice %arg4[%dma_wait3A_290, %mul3A_2] : memref<8x4096xf32, #tpu.memory_space<hbm>> -> memref<1x128xf32, #tpu.memory_space<hbm>>
    %dma_wait3A_296 = tpu.memref_squeeze %dma_wait3A_295 : memref<1x128xf32, #tpu.memory_space<hbm>> -> memref<128xf32, #tpu.memory_space<hbm>>
    %dma_wait3A_297 = arith.constant 256 : i32
    %dma_wait3A_298 = tpu.memref_slice %arg7[%dma_wait3A_297] : memref<1024xf32, #tpu.memory_space<vmem>> -> memref<128xf32, #tpu.memory_space<vmem>>
    tpu.wait_dma2 semaphore(%arg8 : memref<!tpu.dma_semaphore, #tpu.memory_space<semaphore_mem>>) src(%dma_wait3A_298 : memref<128xf32, #tpu.memory_space<vmem>>) dst(%dma_wait3A_296 : memref<128xf32, #tpu.memory_space<hbm>>)
    %dma_wait3A_299 = arith.constant 3 : i32
    %dma_wait3A_300 = arith.constant 384 : i32
    %dma_wait3A_301 = tpu.memref_slice %arg7[%dma_wait3A_300] : memref<1024xf32, #tpu.memory_space<vmem>> -> memref<128xf32, #tpu.memory_space<vmem>>
    %dma_wait3A_302 = tpu.memref_slice %arg4[%dma_wait3A_299, %mul3A_2] : memref<8x4096xf32, #tpu.memory_space<hbm>> -> memref<1x128xf32, #tpu.memory_space<hbm>>
    %dma_wait3A_303 = tpu.memref_squeeze %dma_wait3A_302 : memref<1x128xf32, #tpu.memory_space<hbm>> -> memref<128xf32, #tpu.memory_space<hbm>>
    %dma_wait3A_304 = tpu.memref_slice %arg4[%dma_wait3A_299, %mul3A_2] : memref<8x4096xf32, #tpu.memory_space<hbm>> -> memref<1x128xf32, #tpu.memory_space<hbm>>
    %dma_wait3A_305 = tpu.memref_squeeze %dma_wait3A_304 : memref<1x128xf32, #tpu.memory_space<hbm>> -> memref<128xf32, #tpu.memory_space<hbm>>
    %dma_wait3A_306 = arith.constant 384 : i32
    %dma_wait3A_307 = tpu.memref_slice %arg7[%dma_wait3A_306] : memref<1024xf32, #tpu.memory_space<vmem>> -> memref<128xf32, #tpu.memory_space<vmem>>
    tpu.wait_dma2 semaphore(%arg8 : memref<!tpu.dma_semaphore, #tpu.memory_space<semaphore_mem>>) src(%dma_wait3A_307 : memref<128xf32, #tpu.memory_space<vmem>>) dst(%dma_wait3A_305 : memref<128xf32, #tpu.memory_space<hbm>>)
    %dma_wait3A_308 = arith.constant 4 : i32
    %dma_wait3A_309 = arith.constant 512 : i32
    %dma_wait3A_310 = tpu.memref_slice %arg7[%dma_wait3A_309] : memref<1024xf32, #tpu.memory_space<vmem>> -> memref<128xf32, #tpu.memory_space<vmem>>
    %dma_wait3A_311 = tpu.memref_slice %arg4[%dma_wait3A_308, %mul3A_2] : memref<8x4096xf32, #tpu.memory_space<hbm>> -> memref<1x128xf32, #tpu.memory_space<hbm>>
    %dma_wait3A_312 = tpu.memref_squeeze %dma_wait3A_311 : memref<1x128xf32, #tpu.memory_space<hbm>> -> memref<128xf32, #tpu.memory_space<hbm>>
    %dma_wait3A_313 = tpu.memref_slice %arg4[%dma_wait3A_308, %mul3A_2] : memref<8x4096xf32, #tpu.memory_space<hbm>> -> memref<1x128xf32, #tpu.memory_space<hbm>>
    %dma_wait3A_314 = tpu.memref_squeeze %dma_wait3A_313 : memref<1x128xf32, #tpu.memory_space<hbm>> -> memref<128xf32, #tpu.memory_space<hbm>>
    %dma_wait3A_315 = arith.constant 512 : i32
    %dma_wait3A_316 = tpu.memref_slice %arg7[%dma_wait3A_315] : memref<1024xf32, #tpu.memory_space<vmem>> -> memref<128xf32, #tpu.memory_space<vmem>>
    tpu.wait_dma2 semaphore(%arg8 : memref<!tpu.dma_semaphore, #tpu.memory_space<semaphore_mem>>) src(%dma_wait3A_316 : memref<128xf32, #tpu.memory_space<vmem>>) dst(%dma_wait3A_314 : memref<128xf32, #tpu.memory_space<hbm>>)
    %dma_wait3A_317 = arith.constant 5 : i32
    %dma_wait3A_318 = arith.constant 640 : i32
    %dma_wait3A_319 = tpu.memref_slice %arg7[%dma_wait3A_318] : memref<1024xf32, #tpu.memory_space<vmem>> -> memref<128xf32, #tpu.memory_space<vmem>>
    %dma_wait3A_320 = tpu.memref_slice %arg4[%dma_wait3A_317, %mul3A_2] : memref<8x4096xf32, #tpu.memory_space<hbm>> -> memref<1x128xf32, #tpu.memory_space<hbm>>
    %dma_wait3A_321 = tpu.memref_squeeze %dma_wait3A_320 : memref<1x128xf32, #tpu.memory_space<hbm>> -> memref<128xf32, #tpu.memory_space<hbm>>
    %dma_wait3A_322 = tpu.memref_slice %arg4[%dma_wait3A_317, %mul3A_2] : memref<8x4096xf32, #tpu.memory_space<hbm>> -> memref<1x128xf32, #tpu.memory_space<hbm>>
    %dma_wait3A_323 = tpu.memref_squeeze %dma_wait3A_322 : memref<1x128xf32, #tpu.memory_space<hbm>> -> memref<128xf32, #tpu.memory_space<hbm>>
    %dma_wait3A_324 = arith.constant 640 : i32
    %dma_wait3A_325 = tpu.memref_slice %arg7[%dma_wait3A_324] : memref<1024xf32, #tpu.memory_space<vmem>> -> memref<128xf32, #tpu.memory_space<vmem>>
    tpu.wait_dma2 semaphore(%arg8 : memref<!tpu.dma_semaphore, #tpu.memory_space<semaphore_mem>>) src(%dma_wait3A_325 : memref<128xf32, #tpu.memory_space<vmem>>) dst(%dma_wait3A_323 : memref<128xf32, #tpu.memory_space<hbm>>)
    %dma_wait3A_326 = arith.constant 6 : i32
    %dma_wait3A_327 = arith.constant 768 : i32
    %dma_wait3A_328 = tpu.memref_slice %arg7[%dma_wait3A_327] : memref<1024xf32, #tpu.memory_space<vmem>> -> memref<128xf32, #tpu.memory_space<vmem>>
    %dma_wait3A_329 = tpu.memref_slice %arg4[%dma_wait3A_326, %mul3A_2] : memref<8x4096xf32, #tpu.memory_space<hbm>> -> memref<1x128xf32, #tpu.memory_space<hbm>>
    %dma_wait3A_330 = tpu.memref_squeeze %dma_wait3A_329 : memref<1x128xf32, #tpu.memory_space<hbm>> -> memref<128xf32, #tpu.memory_space<hbm>>
    %dma_wait3A_331 = tpu.memref_slice %arg4[%dma_wait3A_326, %mul3A_2] : memref<8x4096xf32, #tpu.memory_space<hbm>> -> memref<1x128xf32, #tpu.memory_space<hbm>>
    %dma_wait3A_332 = tpu.memref_squeeze %dma_wait3A_331 : memref<1x128xf32, #tpu.memory_space<hbm>> -> memref<128xf32, #tpu.memory_space<hbm>>
    %dma_wait3A_333 = arith.constant 768 : i32
    %dma_wait3A_334 = tpu.memref_slice %arg7[%dma_wait3A_333] : memref<1024xf32, #tpu.memory_space<vmem>> -> memref<128xf32, #tpu.memory_space<vmem>>
    tpu.wait_dma2 semaphore(%arg8 : memref<!tpu.dma_semaphore, #tpu.memory_space<semaphore_mem>>) src(%dma_wait3A_334 : memref<128xf32, #tpu.memory_space<vmem>>) dst(%dma_wait3A_332 : memref<128xf32, #tpu.memory_space<hbm>>)
    %dma_wait3A_335 = arith.constant 7 : i32
    %dma_wait3A_336 = arith.constant 896 : i32
    %dma_wait3A_337 = tpu.memref_slice %arg7[%dma_wait3A_336] : memref<1024xf32, #tpu.memory_space<vmem>> -> memref<128xf32, #tpu.memory_space<vmem>>
    %dma_wait3A_338 = tpu.memref_slice %arg4[%dma_wait3A_335, %mul3A_2] : memref<8x4096xf32, #tpu.memory_space<hbm>> -> memref<1x128xf32, #tpu.memory_space<hbm>>
    %dma_wait3A_339 = tpu.memref_squeeze %dma_wait3A_338 : memref<1x128xf32, #tpu.memory_space<hbm>> -> memref<128xf32, #tpu.memory_space<hbm>>
    %dma_wait3A_340 = tpu.memref_slice %arg4[%dma_wait3A_335, %mul3A_2] : memref<8x4096xf32, #tpu.memory_space<hbm>> -> memref<1x128xf32, #tpu.memory_space<hbm>>
    %dma_wait3A_341 = tpu.memref_squeeze %dma_wait3A_340 : memref<1x128xf32, #tpu.memory_space<hbm>> -> memref<128xf32, #tpu.memory_space<hbm>>
    %dma_wait3A_342 = arith.constant 896 : i32
    %dma_wait3A_343 = tpu.memref_slice %arg7[%dma_wait3A_342] : memref<1024xf32, #tpu.memory_space<vmem>> -> memref<128xf32, #tpu.memory_space<vmem>>
    tpu.wait_dma2 semaphore(%arg8 : memref<!tpu.dma_semaphore, #tpu.memory_space<semaphore_mem>>) src(%dma_wait3A_343 : memref<128xf32, #tpu.memory_space<vmem>>) dst(%dma_wait3A_341 : memref<128xf32, #tpu.memory_space<hbm>>)
    return
  }
}

module attributes {stable_mosaic.version = 14 : i64} {
  func.func @_dispatch_tc(%arg0: i32, %arg1: memref<256x1024xf32, #tpu.memory_space<vmem>>, %arg2: memref<8x256xf32, #tpu.memory_space<vmem>>, %arg3: memref<8x256x1024xf32, #tpu.memory_space<vmem>>) attributes {dimension_semantics = [#tpu.dimension_semantics<arbitrary>], iteration_bounds = array<i64: 16>, scalar_prefetch = 0 : i64, scratch_operands = 0 : i64, tpu.core_type = #tpu.core_type<tc>, window_params = [{transform_indices = @transform_0, window_bounds = array<i64: 256, 1024>}, {transform_indices = @transform_1, window_bounds = array<i64: 8, 256>}, {transform_indices = @transform_2, window_bounds = array<i64: 8, 256, 1024>}]} {
    %get3A = arith.constant 0 : index
    %get3A_0 = arith.constant 0 : index
    %get3A_1 = vector.load %arg1[%get3A, %get3A_0] : memref<256x1024xf32, #tpu.memory_space<vmem>>, vector<8x1024xf32>
    %get3A_2 = arith.constant 0 : index
    %get3A_3 = arith.constant 0 : index
    %get3A_4 = vector.load %arg2[%get3A_2, %get3A_3] : memref<8x256xf32, #tpu.memory_space<vmem>>, vector<8x8xf32>
    %broadcast_in_dim3A = vector.shape_cast %get3A_1 : vector<8x1024xf32> to vector<1x8x1024xf32>
    %broadcast_in_dim3A_5 = vector.shape_cast %get3A_4 : vector<8x8xf32> to vector<8x8x1xf32>
    %mul3A = vector.broadcast %broadcast_in_dim3A : vector<1x8x1024xf32> to vector<8x8x1024xf32>
    %mul3A_6 = vector.broadcast %broadcast_in_dim3A_5 : vector<8x8x1xf32> to vector<8x8x1024xf32>
    %mul3A_7 = arith.mulf %mul3A, %mul3A_6 : vector<8x8x1024xf32>
    %swap3A = arith.constant 0 : index
    %swap3A_8 = arith.constant 0 : index
    %swap3A_9 = arith.constant 0 : index
    %swap3A_10 = vector.load %arg3[%swap3A, %swap3A_8, %swap3A_9] : memref<8x256x1024xf32, #tpu.memory_space<vmem>>, vector<8x8x1024xf32>
    tpu.vector_store %arg3[%swap3A, %swap3A_8, %swap3A_9], %mul3A_7 {strides = array<i32>} : memref<8x256x1024xf32, #tpu.memory_space<vmem>>, vector<8x8x1024xf32>,
    %get3A_11 = arith.constant 8 : index
    %get3A_12 = arith.constant 0 : index
    %get3A_13 = vector.load %arg1[%get3A_11, %get3A_12] : memref<256x1024xf32, #tpu.memory_space<vmem>>, vector<8x1024xf32>
    %get3A_14 = arith.constant 0 : index
    %get3A_15 = arith.constant 8 : index
    %get3A_16 = vector.load %arg2[%get3A_14, %get3A_15] : memref<8x256xf32, #tpu.memory_space<vmem>>, vector<8x8xf32>
    %broadcast_in_dim3A_17 = vector.shape_cast %get3A_13 : vector<8x1024xf32> to vector<1x8x1024xf32>
    %broadcast_in_dim3A_18 = vector.shape_cast %get3A_16 : vector<8x8xf32> to vector<8x8x1xf32>
    %mul3A_19 = vector.broadcast %broadcast_in_dim3A_17 : vector<1x8x1024xf32> to vector<8x8x1024xf32>
    %mul3A_20 = vector.broadcast %broadcast_in_dim3A_18 : vector<8x8x1xf32> to vector<8x8x1024xf32>
    %mul3A_21 = arith.mulf %mul3A_19, %mul3A_20 : vector<8x8x1024xf32>
    %swap3A_22 = arith.constant 0 : index
    %swap3A_23 = arith.constant 8 : index
    %swap3A_24 = arith.constant 0 : index
    %swap3A_25 = vector.load %arg3[%swap3A_22, %swap3A_23, %swap3A_24] : memref<8x256x1024xf32, #tpu.memory_space<vmem>>, vector<8x8x1024xf32>
    tpu.vector_store %arg3[%swap3A_22, %swap3A_23, %swap3A_24], %mul3A_21 {strides = array<i32>} : memref<8x256x1024xf32, #tpu.memory_space<vmem>>, vector<8x8x1024xf32>,
    %get3A_26 = arith.constant 16 : index
    %get3A_27 = arith.constant 0 : index
    %get3A_28 = vector.load %arg1[%get3A_26, %get3A_27] : memref<256x1024xf32, #tpu.memory_space<vmem>>, vector<8x1024xf32>
    %get3A_29 = arith.constant 0 : index
    %get3A_30 = arith.constant 16 : index
    %get3A_31 = vector.load %arg2[%get3A_29, %get3A_30] : memref<8x256xf32, #tpu.memory_space<vmem>>, vector<8x8xf32>
    %broadcast_in_dim3A_32 = vector.shape_cast %get3A_28 : vector<8x1024xf32> to vector<1x8x1024xf32>
    %broadcast_in_dim3A_33 = vector.shape_cast %get3A_31 : vector<8x8xf32> to vector<8x8x1xf32>
    %mul3A_34 = vector.broadcast %broadcast_in_dim3A_32 : vector<1x8x1024xf32> to vector<8x8x1024xf32>
    %mul3A_35 = vector.broadcast %broadcast_in_dim3A_33 : vector<8x8x1xf32> to vector<8x8x1024xf32>
    %mul3A_36 = arith.mulf %mul3A_34, %mul3A_35 : vector<8x8x1024xf32>
    %swap3A_37 = arith.constant 0 : index
    %swap3A_38 = arith.constant 16 : index
    %swap3A_39 = arith.constant 0 : index
    %swap3A_40 = vector.load %arg3[%swap3A_37, %swap3A_38, %swap3A_39] : memref<8x256x1024xf32, #tpu.memory_space<vmem>>, vector<8x8x1024xf32>
    tpu.vector_store %arg3[%swap3A_37, %swap3A_38, %swap3A_39], %mul3A_36 {strides = array<i32>} : memref<8x256x1024xf32, #tpu.memory_space<vmem>>, vector<8x8x1024xf32>,
    %get3A_41 = arith.constant 24 : index
    %get3A_42 = arith.constant 0 : index
    %get3A_43 = vector.load %arg1[%get3A_41, %get3A_42] : memref<256x1024xf32, #tpu.memory_space<vmem>>, vector<8x1024xf32>
    %get3A_44 = arith.constant 0 : index
    %get3A_45 = arith.constant 24 : index
    %get3A_46 = vector.load %arg2[%get3A_44, %get3A_45] : memref<8x256xf32, #tpu.memory_space<vmem>>, vector<8x8xf32>
    %broadcast_in_dim3A_47 = vector.shape_cast %get3A_43 : vector<8x1024xf32> to vector<1x8x1024xf32>
    %broadcast_in_dim3A_48 = vector.shape_cast %get3A_46 : vector<8x8xf32> to vector<8x8x1xf32>
    %mul3A_49 = vector.broadcast %broadcast_in_dim3A_47 : vector<1x8x1024xf32> to vector<8x8x1024xf32>
    %mul3A_50 = vector.broadcast %broadcast_in_dim3A_48 : vector<8x8x1xf32> to vector<8x8x1024xf32>
    %mul3A_51 = arith.mulf %mul3A_49, %mul3A_50 : vector<8x8x1024xf32>
    %swap3A_52 = arith.constant 0 : index
    %swap3A_53 = arith.constant 24 : index
    %swap3A_54 = arith.constant 0 : index
    %swap3A_55 = vector.load %arg3[%swap3A_52, %swap3A_53, %swap3A_54] : memref<8x256x1024xf32, #tpu.memory_space<vmem>>, vector<8x8x1024xf32>
    tpu.vector_store %arg3[%swap3A_52, %swap3A_53, %swap3A_54], %mul3A_51 {strides = array<i32>} : memref<8x256x1024xf32, #tpu.memory_space<vmem>>, vector<8x8x1024xf32>,
    %get3A_56 = arith.constant 32 : index
    %get3A_57 = arith.constant 0 : index
    %get3A_58 = vector.load %arg1[%get3A_56, %get3A_57] : memref<256x1024xf32, #tpu.memory_space<vmem>>, vector<8x1024xf32>
    %get3A_59 = arith.constant 0 : index
    %get3A_60 = arith.constant 32 : index
    %get3A_61 = vector.load %arg2[%get3A_59, %get3A_60] : memref<8x256xf32, #tpu.memory_space<vmem>>, vector<8x8xf32>
    %broadcast_in_dim3A_62 = vector.shape_cast %get3A_58 : vector<8x1024xf32> to vector<1x8x1024xf32>
    %broadcast_in_dim3A_63 = vector.shape_cast %get3A_61 : vector<8x8xf32> to vector<8x8x1xf32>
    %mul3A_64 = vector.broadcast %broadcast_in_dim3A_62 : vector<1x8x1024xf32> to vector<8x8x1024xf32>
    %mul3A_65 = vector.broadcast %broadcast_in_dim3A_63 : vector<8x8x1xf32> to vector<8x8x1024xf32>
    %mul3A_66 = arith.mulf %mul3A_64, %mul3A_65 : vector<8x8x1024xf32>
    %swap3A_67 = arith.constant 0 : index
    %swap3A_68 = arith.constant 32 : index
    %swap3A_69 = arith.constant 0 : index
    %swap3A_70 = vector.load %arg3[%swap3A_67, %swap3A_68, %swap3A_69] : memref<8x256x1024xf32, #tpu.memory_space<vmem>>, vector<8x8x1024xf32>
    tpu.vector_store %arg3[%swap3A_67, %swap3A_68, %swap3A_69], %mul3A_66 {strides = array<i32>} : memref<8x256x1024xf32, #tpu.memory_space<vmem>>, vector<8x8x1024xf32>,
    %get3A_71 = arith.constant 40 : index
    %get3A_72 = arith.constant 0 : index
    %get3A_73 = vector.load %arg1[%get3A_71, %get3A_72] : memref<256x1024xf32, #tpu.memory_space<vmem>>, vector<8x1024xf32>
    %get3A_74 = arith.constant 0 : index
    %get3A_75 = arith.constant 40 : index
    %get3A_76 = vector.load %arg2[%get3A_74, %get3A_75] : memref<8x256xf32, #tpu.memory_space<vmem>>, vector<8x8xf32>
    %broadcast_in_dim3A_77 = vector.shape_cast %get3A_73 : vector<8x1024xf32> to vector<1x8x1024xf32>
    %broadcast_in_dim3A_78 = vector.shape_cast %get3A_76 : vector<8x8xf32> to vector<8x8x1xf32>
    %mul3A_79 = vector.broadcast %broadcast_in_dim3A_77 : vector<1x8x1024xf32> to vector<8x8x1024xf32>
    %mul3A_80 = vector.broadcast %broadcast_in_dim3A_78 : vector<8x8x1xf32> to vector<8x8x1024xf32>
    %mul3A_81 = arith.mulf %mul3A_79, %mul3A_80 : vector<8x8x1024xf32>
    %swap3A_82 = arith.constant 0 : index
    %swap3A_83 = arith.constant 40 : index
    %swap3A_84 = arith.constant 0 : index
    %swap3A_85 = vector.load %arg3[%swap3A_82, %swap3A_83, %swap3A_84] : memref<8x256x1024xf32, #tpu.memory_space<vmem>>, vector<8x8x1024xf32>
    tpu.vector_store %arg3[%swap3A_82, %swap3A_83, %swap3A_84], %mul3A_81 {strides = array<i32>} : memref<8x256x1024xf32, #tpu.memory_space<vmem>>, vector<8x8x1024xf32>,
    %get3A_86 = arith.constant 48 : index
    %get3A_87 = arith.constant 0 : index
    %get3A_88 = vector.load %arg1[%get3A_86, %get3A_87] : memref<256x1024xf32, #tpu.memory_space<vmem>>, vector<8x1024xf32>
    %get3A_89 = arith.constant 0 : index
    %get3A_90 = arith.constant 48 : index
    %get3A_91 = vector.load %arg2[%get3A_89, %get3A_90] : memref<8x256xf32, #tpu.memory_space<vmem>>, vector<8x8xf32>
    %broadcast_in_dim3A_92 = vector.shape_cast %get3A_88 : vector<8x1024xf32> to vector<1x8x1024xf32>
    %broadcast_in_dim3A_93 = vector.shape_cast %get3A_91 : vector<8x8xf32> to vector<8x8x1xf32>
    %mul3A_94 = vector.broadcast %broadcast_in_dim3A_92 : vector<1x8x1024xf32> to vector<8x8x1024xf32>
    %mul3A_95 = vector.broadcast %broadcast_in_dim3A_93 : vector<8x8x1xf32> to vector<8x8x1024xf32>
    %mul3A_96 = arith.mulf %mul3A_94, %mul3A_95 : vector<8x8x1024xf32>
    %swap3A_97 = arith.constant 0 : index
    %swap3A_98 = arith.constant 48 : index
    %swap3A_99 = arith.constant 0 : index
    %swap3A_100 = vector.load %arg3[%swap3A_97, %swap3A_98, %swap3A_99] : memref<8x256x1024xf32, #tpu.memory_space<vmem>>, vector<8x8x1024xf32>
    tpu.vector_store %arg3[%swap3A_97, %swap3A_98, %swap3A_99], %mul3A_96 {strides = array<i32>} : memref<8x256x1024xf32, #tpu.memory_space<vmem>>, vector<8x8x1024xf32>,
    %get3A_101 = arith.constant 56 : index
    %get3A_102 = arith.constant 0 : index
    %get3A_103 = vector.load %arg1[%get3A_101, %get3A_102] : memref<256x1024xf32, #tpu.memory_space<vmem>>, vector<8x1024xf32>
    %get3A_104 = arith.constant 0 : index
    %get3A_105 = arith.constant 56 : index
    %get3A_106 = vector.load %arg2[%get3A_104, %get3A_105] : memref<8x256xf32, #tpu.memory_space<vmem>>, vector<8x8xf32>
    %broadcast_in_dim3A_107 = vector.shape_cast %get3A_103 : vector<8x1024xf32> to vector<1x8x1024xf32>
    %broadcast_in_dim3A_108 = vector.shape_cast %get3A_106 : vector<8x8xf32> to vector<8x8x1xf32>
    %mul3A_109 = vector.broadcast %broadcast_in_dim3A_107 : vector<1x8x1024xf32> to vector<8x8x1024xf32>
    %mul3A_110 = vector.broadcast %broadcast_in_dim3A_108 : vector<8x8x1xf32> to vector<8x8x1024xf32>
    %mul3A_111 = arith.mulf %mul3A_109, %mul3A_110 : vector<8x8x1024xf32>
    %swap3A_112 = arith.constant 0 : index
    %swap3A_113 = arith.constant 56 : index
    %swap3A_114 = arith.constant 0 : index
    %swap3A_115 = vector.load %arg3[%swap3A_112, %swap3A_113, %swap3A_114] : memref<8x256x1024xf32, #tpu.memory_space<vmem>>, vector<8x8x1024xf32>
    tpu.vector_store %arg3[%swap3A_112, %swap3A_113, %swap3A_114], %mul3A_111 {strides = array<i32>} : memref<8x256x1024xf32, #tpu.memory_space<vmem>>, vector<8x8x1024xf32>,
    %get3A_116 = arith.constant 64 : index
    %get3A_117 = arith.constant 0 : index
    %get3A_118 = vector.load %arg1[%get3A_116, %get3A_117] : memref<256x1024xf32, #tpu.memory_space<vmem>>, vector<8x1024xf32>
    %get3A_119 = arith.constant 0 : index
    %get3A_120 = arith.constant 64 : index
    %get3A_121 = vector.load %arg2[%get3A_119, %get3A_120] : memref<8x256xf32, #tpu.memory_space<vmem>>, vector<8x8xf32>
    %broadcast_in_dim3A_122 = vector.shape_cast %get3A_118 : vector<8x1024xf32> to vector<1x8x1024xf32>
    %broadcast_in_dim3A_123 = vector.shape_cast %get3A_121 : vector<8x8xf32> to vector<8x8x1xf32>
    %mul3A_124 = vector.broadcast %broadcast_in_dim3A_122 : vector<1x8x1024xf32> to vector<8x8x1024xf32>
    %mul3A_125 = vector.broadcast %broadcast_in_dim3A_123 : vector<8x8x1xf32> to vector<8x8x1024xf32>
    %mul3A_126 = arith.mulf %mul3A_124, %mul3A_125 : vector<8x8x1024xf32>
    %swap3A_127 = arith.constant 0 : index
    %swap3A_128 = arith.constant 64 : index
    %swap3A_129 = arith.constant 0 : index
    %swap3A_130 = vector.load %arg3[%swap3A_127, %swap3A_128, %swap3A_129] : memref<8x256x1024xf32, #tpu.memory_space<vmem>>, vector<8x8x1024xf32>
    tpu.vector_store %arg3[%swap3A_127, %swap3A_128, %swap3A_129], %mul3A_126 {strides = array<i32>} : memref<8x256x1024xf32, #tpu.memory_space<vmem>>, vector<8x8x1024xf32>,
    %get3A_131 = arith.constant 72 : index
    %get3A_132 = arith.constant 0 : index
    %get3A_133 = vector.load %arg1[%get3A_131, %get3A_132] : memref<256x1024xf32, #tpu.memory_space<vmem>>, vector<8x1024xf32>
    %get3A_134 = arith.constant 0 : index
    %get3A_135 = arith.constant 72 : index
    %get3A_136 = vector.load %arg2[%get3A_134, %get3A_135] : memref<8x256xf32, #tpu.memory_space<vmem>>, vector<8x8xf32>
    %broadcast_in_dim3A_137 = vector.shape_cast %get3A_133 : vector<8x1024xf32> to vector<1x8x1024xf32>
    %broadcast_in_dim3A_138 = vector.shape_cast %get3A_136 : vector<8x8xf32> to vector<8x8x1xf32>
    %mul3A_139 = vector.broadcast %broadcast_in_dim3A_137 : vector<1x8x1024xf32> to vector<8x8x1024xf32>
    %mul3A_140 = vector.broadcast %broadcast_in_dim3A_138 : vector<8x8x1xf32> to vector<8x8x1024xf32>
    %mul3A_141 = arith.mulf %mul3A_139, %mul3A_140 : vector<8x8x1024xf32>
    %swap3A_142 = arith.constant 0 : index
    %swap3A_143 = arith.constant 72 : index
    %swap3A_144 = arith.constant 0 : index
    %swap3A_145 = vector.load %arg3[%swap3A_142, %swap3A_143, %swap3A_144] : memref<8x256x1024xf32, #tpu.memory_space<vmem>>, vector<8x8x1024xf32>
    tpu.vector_store %arg3[%swap3A_142, %swap3A_143, %swap3A_144], %mul3A_141 {strides = array<i32>} : memref<8x256x1024xf32, #tpu.memory_space<vmem>>, vector<8x8x1024xf32>,
    %get3A_146 = arith.constant 80 : index
    %get3A_147 = arith.constant 0 : index
    %get3A_148 = vector.load %arg1[%get3A_146, %get3A_147] : memref<256x1024xf32, #tpu.memory_space<vmem>>, vector<8x1024xf32>
    %get3A_149 = arith.constant 0 : index
    %get3A_150 = arith.constant 80 : index
    %get3A_151 = vector.load %arg2[%get3A_149, %get3A_150] : memref<8x256xf32, #tpu.memory_space<vmem>>, vector<8x8xf32>
    %broadcast_in_dim3A_152 = vector.shape_cast %get3A_148 : vector<8x1024xf32> to vector<1x8x1024xf32>
    %broadcast_in_dim3A_153 = vector.shape_cast %get3A_151 : vector<8x8xf32> to vector<8x8x1xf32>
    %mul3A_154 = vector.broadcast %broadcast_in_dim3A_152 : vector<1x8x1024xf32> to vector<8x8x1024xf32>
    %mul3A_155 = vector.broadcast %broadcast_in_dim3A_153 : vector<8x8x1xf32> to vector<8x8x1024xf32>
    %mul3A_156 = arith.mulf %mul3A_154, %mul3A_155 : vector<8x8x1024xf32>
    %swap3A_157 = arith.constant 0 : index
    %swap3A_158 = arith.constant 80 : index
    %swap3A_159 = arith.constant 0 : index
    %swap3A_160 = vector.load %arg3[%swap3A_157, %swap3A_158, %swap3A_159] : memref<8x256x1024xf32, #tpu.memory_space<vmem>>, vector<8x8x1024xf32>
    tpu.vector_store %arg3[%swap3A_157, %swap3A_158, %swap3A_159], %mul3A_156 {strides = array<i32>} : memref<8x256x1024xf32, #tpu.memory_space<vmem>>, vector<8x8x1024xf32>,
    %get3A_161 = arith.constant 88 : index
    %get3A_162 = arith.constant 0 : index
    %get3A_163 = vector.load %arg1[%get3A_161, %get3A_162] : memref<256x1024xf32, #tpu.memory_space<vmem>>, vector<8x1024xf32>
    %get3A_164 = arith.constant 0 : index
    %get3A_165 = arith.constant 88 : index
    %get3A_166 = vector.load %arg2[%get3A_164, %get3A_165] : memref<8x256xf32, #tpu.memory_space<vmem>>, vector<8x8xf32>
    %broadcast_in_dim3A_167 = vector.shape_cast %get3A_163 : vector<8x1024xf32> to vector<1x8x1024xf32>
    %broadcast_in_dim3A_168 = vector.shape_cast %get3A_166 : vector<8x8xf32> to vector<8x8x1xf32>
    %mul3A_169 = vector.broadcast %broadcast_in_dim3A_167 : vector<1x8x1024xf32> to vector<8x8x1024xf32>
    %mul3A_170 = vector.broadcast %broadcast_in_dim3A_168 : vector<8x8x1xf32> to vector<8x8x1024xf32>
    %mul3A_171 = arith.mulf %mul3A_169, %mul3A_170 : vector<8x8x1024xf32>
    %swap3A_172 = arith.constant 0 : index
    %swap3A_173 = arith.constant 88 : index
    %swap3A_174 = arith.constant 0 : index
    %swap3A_175 = vector.load %arg3[%swap3A_172, %swap3A_173, %swap3A_174] : memref<8x256x1024xf32, #tpu.memory_space<vmem>>, vector<8x8x1024xf32>
    tpu.vector_store %arg3[%swap3A_172, %swap3A_173, %swap3A_174], %mul3A_171 {strides = array<i32>} : memref<8x256x1024xf32, #tpu.memory_space<vmem>>, vector<8x8x1024xf32>,
    %get3A_176 = arith.constant 96 : index
    %get3A_177 = arith.constant 0 : index
    %get3A_178 = vector.load %arg1[%get3A_176, %get3A_177] : memref<256x1024xf32, #tpu.memory_space<vmem>>, vector<8x1024xf32>
    %get3A_179 = arith.constant 0 : index
    %get3A_180 = arith.constant 96 : index
    %get3A_181 = vector.load %arg2[%get3A_179, %get3A_180] : memref<8x256xf32, #tpu.memory_space<vmem>>, vector<8x8xf32>
    %broadcast_in_dim3A_182 = vector.shape_cast %get3A_178 : vector<8x1024xf32> to vector<1x8x1024xf32>
    %broadcast_in_dim3A_183 = vector.shape_cast %get3A_181 : vector<8x8xf32> to vector<8x8x1xf32>
    %mul3A_184 = vector.broadcast %broadcast_in_dim3A_182 : vector<1x8x1024xf32> to vector<8x8x1024xf32>
    %mul3A_185 = vector.broadcast %broadcast_in_dim3A_183 : vector<8x8x1xf32> to vector<8x8x1024xf32>
    %mul3A_186 = arith.mulf %mul3A_184, %mul3A_185 : vector<8x8x1024xf32>
    %swap3A_187 = arith.constant 0 : index
    %swap3A_188 = arith.constant 96 : index
    %swap3A_189 = arith.constant 0 : index
    %swap3A_190 = vector.load %arg3[%swap3A_187, %swap3A_188, %swap3A_189] : memref<8x256x1024xf32, #tpu.memory_space<vmem>>, vector<8x8x1024xf32>
    tpu.vector_store %arg3[%swap3A_187, %swap3A_188, %swap3A_189], %mul3A_186 {strides = array<i32>} : memref<8x256x1024xf32, #tpu.memory_space<vmem>>, vector<8x8x1024xf32>,
    %get3A_191 = arith.constant 104 : index
    %get3A_192 = arith.constant 0 : index
    %get3A_193 = vector.load %arg1[%get3A_191, %get3A_192] : memref<256x1024xf32, #tpu.memory_space<vmem>>, vector<8x1024xf32>
    %get3A_194 = arith.constant 0 : index
    %get3A_195 = arith.constant 104 : index
    %get3A_196 = vector.load %arg2[%get3A_194, %get3A_195] : memref<8x256xf32, #tpu.memory_space<vmem>>, vector<8x8xf32>
    %broadcast_in_dim3A_197 = vector.shape_cast %get3A_193 : vector<8x1024xf32> to vector<1x8x1024xf32>
    %broadcast_in_dim3A_198 = vector.shape_cast %get3A_196 : vector<8x8xf32> to vector<8x8x1xf32>
    %mul3A_199 = vector.broadcast %broadcast_in_dim3A_197 : vector<1x8x1024xf32> to vector<8x8x1024xf32>
    %mul3A_200 = vector.broadcast %broadcast_in_dim3A_198 : vector<8x8x1xf32> to vector<8x8x1024xf32>
    %mul3A_201 = arith.mulf %mul3A_199, %mul3A_200 : vector<8x8x1024xf32>
    %swap3A_202 = arith.constant 0 : index
    %swap3A_203 = arith.constant 104 : index
    %swap3A_204 = arith.constant 0 : index
    %swap3A_205 = vector.load %arg3[%swap3A_202, %swap3A_203, %swap3A_204] : memref<8x256x1024xf32, #tpu.memory_space<vmem>>, vector<8x8x1024xf32>
    tpu.vector_store %arg3[%swap3A_202, %swap3A_203, %swap3A_204], %mul3A_201 {strides = array<i32>} : memref<8x256x1024xf32, #tpu.memory_space<vmem>>, vector<8x8x1024xf32>,
    %get3A_206 = arith.constant 112 : index
    %get3A_207 = arith.constant 0 : index
    %get3A_208 = vector.load %arg1[%get3A_206, %get3A_207] : memref<256x1024xf32, #tpu.memory_space<vmem>>, vector<8x1024xf32>
    %get3A_209 = arith.constant 0 : index
    %get3A_210 = arith.constant 112 : index
    %get3A_211 = vector.load %arg2[%get3A_209, %get3A_210] : memref<8x256xf32, #tpu.memory_space<vmem>>, vector<8x8xf32>
    %broadcast_in_dim3A_212 = vector.shape_cast %get3A_208 : vector<8x1024xf32> to vector<1x8x1024xf32>
    %broadcast_in_dim3A_213 = vector.shape_cast %get3A_211 : vector<8x8xf32> to vector<8x8x1xf32>
    %mul3A_214 = vector.broadcast %broadcast_in_dim3A_212 : vector<1x8x1024xf32> to vector<8x8x1024xf32>
    %mul3A_215 = vector.broadcast %broadcast_in_dim3A_213 : vector<8x8x1xf32> to vector<8x8x1024xf32>
    %mul3A_216 = arith.mulf %mul3A_214, %mul3A_215 : vector<8x8x1024xf32>
    %swap3A_217 = arith.constant 0 : index
    %swap3A_218 = arith.constant 112 : index
    %swap3A_219 = arith.constant 0 : index
    %swap3A_220 = vector.load %arg3[%swap3A_217, %swap3A_218, %swap3A_219] : memref<8x256x1024xf32, #tpu.memory_space<vmem>>, vector<8x8x1024xf32>
    tpu.vector_store %arg3[%swap3A_217, %swap3A_218, %swap3A_219], %mul3A_216 {strides = array<i32>} : memref<8x256x1024xf32, #tpu.memory_space<vmem>>, vector<8x8x1024xf32>,
    %get3A_221 = arith.constant 120 : index
    %get3A_222 = arith.constant 0 : index
    %get3A_223 = vector.load %arg1[%get3A_221, %get3A_222] : memref<256x1024xf32, #tpu.memory_space<vmem>>, vector<8x1024xf32>
    %get3A_224 = arith.constant 0 : index
    %get3A_225 = arith.constant 120 : index
    %get3A_226 = vector.load %arg2[%get3A_224, %get3A_225] : memref<8x256xf32, #tpu.memory_space<vmem>>, vector<8x8xf32>
    %broadcast_in_dim3A_227 = vector.shape_cast %get3A_223 : vector<8x1024xf32> to vector<1x8x1024xf32>
    %broadcast_in_dim3A_228 = vector.shape_cast %get3A_226 : vector<8x8xf32> to vector<8x8x1xf32>
    %mul3A_229 = vector.broadcast %broadcast_in_dim3A_227 : vector<1x8x1024xf32> to vector<8x8x1024xf32>
    %mul3A_230 = vector.broadcast %broadcast_in_dim3A_228 : vector<8x8x1xf32> to vector<8x8x1024xf32>
    %mul3A_231 = arith.mulf %mul3A_229, %mul3A_230 : vector<8x8x1024xf32>
    %swap3A_232 = arith.constant 0 : index
    %swap3A_233 = arith.constant 120 : index
    %swap3A_234 = arith.constant 0 : index
    %swap3A_235 = vector.load %arg3[%swap3A_232, %swap3A_233, %swap3A_234] : memref<8x256x1024xf32, #tpu.memory_space<vmem>>, vector<8x8x1024xf32>
    tpu.vector_store %arg3[%swap3A_232, %swap3A_233, %swap3A_234], %mul3A_231 {strides = array<i32>} : memref<8x256x1024xf32, #tpu.memory_space<vmem>>, vector<8x8x1024xf32>,
    %get3A_236 = arith.constant 128 : index
    %get3A_237 = arith.constant 0 : index
    %get3A_238 = vector.load %arg1[%get3A_236, %get3A_237] : memref<256x1024xf32, #tpu.memory_space<vmem>>, vector<8x1024xf32>
    %get3A_239 = arith.constant 0 : index
    %get3A_240 = arith.constant 128 : index
    %get3A_241 = vector.load %arg2[%get3A_239, %get3A_240] : memref<8x256xf32, #tpu.memory_space<vmem>>, vector<8x8xf32>
    %broadcast_in_dim3A_242 = vector.shape_cast %get3A_238 : vector<8x1024xf32> to vector<1x8x1024xf32>
    %broadcast_in_dim3A_243 = vector.shape_cast %get3A_241 : vector<8x8xf32> to vector<8x8x1xf32>
    %mul3A_244 = vector.broadcast %broadcast_in_dim3A_242 : vector<1x8x1024xf32> to vector<8x8x1024xf32>
    %mul3A_245 = vector.broadcast %broadcast_in_dim3A_243 : vector<8x8x1xf32> to vector<8x8x1024xf32>
    %mul3A_246 = arith.mulf %mul3A_244, %mul3A_245 : vector<8x8x1024xf32>
    %swap3A_247 = arith.constant 0 : index
    %swap3A_248 = arith.constant 128 : index
    %swap3A_249 = arith.constant 0 : index
    %swap3A_250 = vector.load %arg3[%swap3A_247, %swap3A_248, %swap3A_249] : memref<8x256x1024xf32, #tpu.memory_space<vmem>>, vector<8x8x1024xf32>
    tpu.vector_store %arg3[%swap3A_247, %swap3A_248, %swap3A_249], %mul3A_246 {strides = array<i32>} : memref<8x256x1024xf32, #tpu.memory_space<vmem>>, vector<8x8x1024xf32>,
    %get3A_251 = arith.constant 136 : index
    %get3A_252 = arith.constant 0 : index
    %get3A_253 = vector.load %arg1[%get3A_251, %get3A_252] : memref<256x1024xf32, #tpu.memory_space<vmem>>, vector<8x1024xf32>
    %get3A_254 = arith.constant 0 : index
    %get3A_255 = arith.constant 136 : index
    %get3A_256 = vector.load %arg2[%get3A_254, %get3A_255] : memref<8x256xf32, #tpu.memory_space<vmem>>, vector<8x8xf32>
    %broadcast_in_dim3A_257 = vector.shape_cast %get3A_253 : vector<8x1024xf32> to vector<1x8x1024xf32>
    %broadcast_in_dim3A_258 = vector.shape_cast %get3A_256 : vector<8x8xf32> to vector<8x8x1xf32>
    %mul3A_259 = vector.broadcast %broadcast_in_dim3A_257 : vector<1x8x1024xf32> to vector<8x8x1024xf32>
    %mul3A_260 = vector.broadcast %broadcast_in_dim3A_258 : vector<8x8x1xf32> to vector<8x8x1024xf32>
    %mul3A_261 = arith.mulf %mul3A_259, %mul3A_260 : vector<8x8x1024xf32>
    %swap3A_262 = arith.constant 0 : index
    %swap3A_263 = arith.constant 136 : index
    %swap3A_264 = arith.constant 0 : index
    %swap3A_265 = vector.load %arg3[%swap3A_262, %swap3A_263, %swap3A_264] : memref<8x256x1024xf32, #tpu.memory_space<vmem>>, vector<8x8x1024xf32>
    tpu.vector_store %arg3[%swap3A_262, %swap3A_263, %swap3A_264], %mul3A_261 {strides = array<i32>} : memref<8x256x1024xf32, #tpu.memory_space<vmem>>, vector<8x8x1024xf32>,
    %get3A_266 = arith.constant 144 : index
    %get3A_267 = arith.constant 0 : index
    %get3A_268 = vector.load %arg1[%get3A_266, %get3A_267] : memref<256x1024xf32, #tpu.memory_space<vmem>>, vector<8x1024xf32>
    %get3A_269 = arith.constant 0 : index
    %get3A_270 = arith.constant 144 : index
    %get3A_271 = vector.load %arg2[%get3A_269, %get3A_270] : memref<8x256xf32, #tpu.memory_space<vmem>>, vector<8x8xf32>
    %broadcast_in_dim3A_272 = vector.shape_cast %get3A_268 : vector<8x1024xf32> to vector<1x8x1024xf32>
    %broadcast_in_dim3A_273 = vector.shape_cast %get3A_271 : vector<8x8xf32> to vector<8x8x1xf32>
    %mul3A_274 = vector.broadcast %broadcast_in_dim3A_272 : vector<1x8x1024xf32> to vector<8x8x1024xf32>
    %mul3A_275 = vector.broadcast %broadcast_in_dim3A_273 : vector<8x8x1xf32> to vector<8x8x1024xf32>
    %mul3A_276 = arith.mulf %mul3A_274, %mul3A_275 : vector<8x8x1024xf32>
    %swap3A_277 = arith.constant 0 : index
    %swap3A_278 = arith.constant 144 : index
    %swap3A_279 = arith.constant 0 : index
    %swap3A_280 = vector.load %arg3[%swap3A_277, %swap3A_278, %swap3A_279] : memref<8x256x1024xf32, #tpu.memory_space<vmem>>, vector<8x8x1024xf32>
    tpu.vector_store %arg3[%swap3A_277, %swap3A_278, %swap3A_279], %mul3A_276 {strides = array<i32>} : memref<8x256x1024xf32, #tpu.memory_space<vmem>>, vector<8x8x1024xf32>,
    %get3A_281 = arith.constant 152 : index
    %get3A_282 = arith.constant 0 : index
    %get3A_283 = vector.load %arg1[%get3A_281, %get3A_282] : memref<256x1024xf32, #tpu.memory_space<vmem>>, vector<8x1024xf32>
    %get3A_284 = arith.constant 0 : index
    %get3A_285 = arith.constant 152 : index
    %get3A_286 = vector.load %arg2[%get3A_284, %get3A_285] : memref<8x256xf32, #tpu.memory_space<vmem>>, vector<8x8xf32>
    %broadcast_in_dim3A_287 = vector.shape_cast %get3A_283 : vector<8x1024xf32> to vector<1x8x1024xf32>
    %broadcast_in_dim3A_288 = vector.shape_cast %get3A_286 : vector<8x8xf32> to vector<8x8x1xf32>
    %mul3A_289 = vector.broadcast %broadcast_in_dim3A_287 : vector<1x8x1024xf32> to vector<8x8x1024xf32>
    %mul3A_290 = vector.broadcast %broadcast_in_dim3A_288 : vector<8x8x1xf32> to vector<8x8x1024xf32>
    %mul3A_291 = arith.mulf %mul3A_289, %mul3A_290 : vector<8x8x1024xf32>
    %swap3A_292 = arith.constant 0 : index
    %swap3A_293 = arith.constant 152 : index
    %swap3A_294 = arith.constant 0 : index
    %swap3A_295 = vector.load %arg3[%swap3A_292, %swap3A_293, %swap3A_294] : memref<8x256x1024xf32, #tpu.memory_space<vmem>>, vector<8x8x1024xf32>
    tpu.vector_store %arg3[%swap3A_292, %swap3A_293, %swap3A_294], %mul3A_291 {strides = array<i32>} : memref<8x256x1024xf32, #tpu.memory_space<vmem>>, vector<8x8x1024xf32>,
    %get3A_296 = arith.constant 160 : index
    %get3A_297 = arith.constant 0 : index
    %get3A_298 = vector.load %arg1[%get3A_296, %get3A_297] : memref<256x1024xf32, #tpu.memory_space<vmem>>, vector<8x1024xf32>
    %get3A_299 = arith.constant 0 : index
    %get3A_300 = arith.constant 160 : index
    %get3A_301 = vector.load %arg2[%get3A_299, %get3A_300] : memref<8x256xf32, #tpu.memory_space<vmem>>, vector<8x8xf32>
    %broadcast_in_dim3A_302 = vector.shape_cast %get3A_298 : vector<8x1024xf32> to vector<1x8x1024xf32>
    %broadcast_in_dim3A_303 = vector.shape_cast %get3A_301 : vector<8x8xf32> to vector<8x8x1xf32>
    %mul3A_304 = vector.broadcast %broadcast_in_dim3A_302 : vector<1x8x1024xf32> to vector<8x8x1024xf32>
    %mul3A_305 = vector.broadcast %broadcast_in_dim3A_303 : vector<8x8x1xf32> to vector<8x8x1024xf32>
    %mul3A_306 = arith.mulf %mul3A_304, %mul3A_305 : vector<8x8x1024xf32>
    %swap3A_307 = arith.constant 0 : index
    %swap3A_308 = arith.constant 160 : index
    %swap3A_309 = arith.constant 0 : index
    %swap3A_310 = vector.load %arg3[%swap3A_307, %swap3A_308, %swap3A_309] : memref<8x256x1024xf32, #tpu.memory_space<vmem>>, vector<8x8x1024xf32>
    tpu.vector_store %arg3[%swap3A_307, %swap3A_308, %swap3A_309], %mul3A_306 {strides = array<i32>} : memref<8x256x1024xf32, #tpu.memory_space<vmem>>, vector<8x8x1024xf32>,
    %get3A_311 = arith.constant 168 : index
    %get3A_312 = arith.constant 0 : index
    %get3A_313 = vector.load %arg1[%get3A_311, %get3A_312] : memref<256x1024xf32, #tpu.memory_space<vmem>>, vector<8x1024xf32>
    %get3A_314 = arith.constant 0 : index
    %get3A_315 = arith.constant 168 : index
    %get3A_316 = vector.load %arg2[%get3A_314, %get3A_315] : memref<8x256xf32, #tpu.memory_space<vmem>>, vector<8x8xf32>
    %broadcast_in_dim3A_317 = vector.shape_cast %get3A_313 : vector<8x1024xf32> to vector<1x8x1024xf32>
    %broadcast_in_dim3A_318 = vector.shape_cast %get3A_316 : vector<8x8xf32> to vector<8x8x1xf32>
    %mul3A_319 = vector.broadcast %broadcast_in_dim3A_317 : vector<1x8x1024xf32> to vector<8x8x1024xf32>
    %mul3A_320 = vector.broadcast %broadcast_in_dim3A_318 : vector<8x8x1xf32> to vector<8x8x1024xf32>
    %mul3A_321 = arith.mulf %mul3A_319, %mul3A_320 : vector<8x8x1024xf32>
    %swap3A_322 = arith.constant 0 : index
    %swap3A_323 = arith.constant 168 : index
    %swap3A_324 = arith.constant 0 : index
    %swap3A_325 = vector.load %arg3[%swap3A_322, %swap3A_323, %swap3A_324] : memref<8x256x1024xf32, #tpu.memory_space<vmem>>, vector<8x8x1024xf32>
    tpu.vector_store %arg3[%swap3A_322, %swap3A_323, %swap3A_324], %mul3A_321 {strides = array<i32>} : memref<8x256x1024xf32, #tpu.memory_space<vmem>>, vector<8x8x1024xf32>,
    %get3A_326 = arith.constant 176 : index
    %get3A_327 = arith.constant 0 : index
    %get3A_328 = vector.load %arg1[%get3A_326, %get3A_327] : memref<256x1024xf32, #tpu.memory_space<vmem>>, vector<8x1024xf32>
    %get3A_329 = arith.constant 0 : index
    %get3A_330 = arith.constant 176 : index
    %get3A_331 = vector.load %arg2[%get3A_329, %get3A_330] : memref<8x256xf32, #tpu.memory_space<vmem>>, vector<8x8xf32>
    %broadcast_in_dim3A_332 = vector.shape_cast %get3A_328 : vector<8x1024xf32> to vector<1x8x1024xf32>
    %broadcast_in_dim3A_333 = vector.shape_cast %get3A_331 : vector<8x8xf32> to vector<8x8x1xf32>
    %mul3A_334 = vector.broadcast %broadcast_in_dim3A_332 : vector<1x8x1024xf32> to vector<8x8x1024xf32>
    %mul3A_335 = vector.broadcast %broadcast_in_dim3A_333 : vector<8x8x1xf32> to vector<8x8x1024xf32>
    %mul3A_336 = arith.mulf %mul3A_334, %mul3A_335 : vector<8x8x1024xf32>
    %swap3A_337 = arith.constant 0 : index
    %swap3A_338 = arith.constant 176 : index
    %swap3A_339 = arith.constant 0 : index
    %swap3A_340 = vector.load %arg3[%swap3A_337, %swap3A_338, %swap3A_339] : memref<8x256x1024xf32, #tpu.memory_space<vmem>>, vector<8x8x1024xf32>
    tpu.vector_store %arg3[%swap3A_337, %swap3A_338, %swap3A_339], %mul3A_336 {strides = array<i32>} : memref<8x256x1024xf32, #tpu.memory_space<vmem>>, vector<8x8x1024xf32>,
    %get3A_341 = arith.constant 184 : index
    %get3A_342 = arith.constant 0 : index
    %get3A_343 = vector.load %arg1[%get3A_341, %get3A_342] : memref<256x1024xf32, #tpu.memory_space<vmem>>, vector<8x1024xf32>
    %get3A_344 = arith.constant 0 : index
    %get3A_345 = arith.constant 184 : index
    %get3A_346 = vector.load %arg2[%get3A_344, %get3A_345] : memref<8x256xf32, #tpu.memory_space<vmem>>, vector<8x8xf32>
    %broadcast_in_dim3A_347 = vector.shape_cast %get3A_343 : vector<8x1024xf32> to vector<1x8x1024xf32>
    %broadcast_in_dim3A_348 = vector.shape_cast %get3A_346 : vector<8x8xf32> to vector<8x8x1xf32>
    %mul3A_349 = vector.broadcast %broadcast_in_dim3A_347 : vector<1x8x1024xf32> to vector<8x8x1024xf32>
    %mul3A_350 = vector.broadcast %broadcast_in_dim3A_348 : vector<8x8x1xf32> to vector<8x8x1024xf32>
    %mul3A_351 = arith.mulf %mul3A_349, %mul3A_350 : vector<8x8x1024xf32>
    %swap3A_352 = arith.constant 0 : index
    %swap3A_353 = arith.constant 184 : index
    %swap3A_354 = arith.constant 0 : index
    %swap3A_355 = vector.load %arg3[%swap3A_352, %swap3A_353, %swap3A_354] : memref<8x256x1024xf32, #tpu.memory_space<vmem>>, vector<8x8x1024xf32>
    tpu.vector_store %arg3[%swap3A_352, %swap3A_353, %swap3A_354], %mul3A_351 {strides = array<i32>} : memref<8x256x1024xf32, #tpu.memory_space<vmem>>, vector<8x8x1024xf32>,
    %get3A_356 = arith.constant 192 : index
    %get3A_357 = arith.constant 0 : index
    %get3A_358 = vector.load %arg1[%get3A_356, %get3A_357] : memref<256x1024xf32, #tpu.memory_space<vmem>>, vector<8x1024xf32>
    %get3A_359 = arith.constant 0 : index
    %get3A_360 = arith.constant 192 : index
    %get3A_361 = vector.load %arg2[%get3A_359, %get3A_360] : memref<8x256xf32, #tpu.memory_space<vmem>>, vector<8x8xf32>
    %broadcast_in_dim3A_362 = vector.shape_cast %get3A_358 : vector<8x1024xf32> to vector<1x8x1024xf32>
    %broadcast_in_dim3A_363 = vector.shape_cast %get3A_361 : vector<8x8xf32> to vector<8x8x1xf32>
    %mul3A_364 = vector.broadcast %broadcast_in_dim3A_362 : vector<1x8x1024xf32> to vector<8x8x1024xf32>
    %mul3A_365 = vector.broadcast %broadcast_in_dim3A_363 : vector<8x8x1xf32> to vector<8x8x1024xf32>
    %mul3A_366 = arith.mulf %mul3A_364, %mul3A_365 : vector<8x8x1024xf32>
    %swap3A_367 = arith.constant 0 : index
    %swap3A_368 = arith.constant 192 : index
    %swap3A_369 = arith.constant 0 : index
    %swap3A_370 = vector.load %arg3[%swap3A_367, %swap3A_368, %swap3A_369] : memref<8x256x1024xf32, #tpu.memory_space<vmem>>, vector<8x8x1024xf32>
    tpu.vector_store %arg3[%swap3A_367, %swap3A_368, %swap3A_369], %mul3A_366 {strides = array<i32>} : memref<8x256x1024xf32, #tpu.memory_space<vmem>>, vector<8x8x1024xf32>,
    %get3A_371 = arith.constant 200 : index
    %get3A_372 = arith.constant 0 : index
    %get3A_373 = vector.load %arg1[%get3A_371, %get3A_372] : memref<256x1024xf32, #tpu.memory_space<vmem>>, vector<8x1024xf32>
    %get3A_374 = arith.constant 0 : index
    %get3A_375 = arith.constant 200 : index
    %get3A_376 = vector.load %arg2[%get3A_374, %get3A_375] : memref<8x256xf32, #tpu.memory_space<vmem>>, vector<8x8xf32>
    %broadcast_in_dim3A_377 = vector.shape_cast %get3A_373 : vector<8x1024xf32> to vector<1x8x1024xf32>
    %broadcast_in_dim3A_378 = vector.shape_cast %get3A_376 : vector<8x8xf32> to vector<8x8x1xf32>
    %mul3A_379 = vector.broadcast %broadcast_in_dim3A_377 : vector<1x8x1024xf32> to vector<8x8x1024xf32>
    %mul3A_380 = vector.broadcast %broadcast_in_dim3A_378 : vector<8x8x1xf32> to vector<8x8x1024xf32>
    %mul3A_381 = arith.mulf %mul3A_379, %mul3A_380 : vector<8x8x1024xf32>
    %swap3A_382 = arith.constant 0 : index
    %swap3A_383 = arith.constant 200 : index
    %swap3A_384 = arith.constant 0 : index
    %swap3A_385 = vector.load %arg3[%swap3A_382, %swap3A_383, %swap3A_384] : memref<8x256x1024xf32, #tpu.memory_space<vmem>>, vector<8x8x1024xf32>
    tpu.vector_store %arg3[%swap3A_382, %swap3A_383, %swap3A_384], %mul3A_381 {strides = array<i32>} : memref<8x256x1024xf32, #tpu.memory_space<vmem>>, vector<8x8x1024xf32>,
    %get3A_386 = arith.constant 208 : index
    %get3A_387 = arith.constant 0 : index
    %get3A_388 = vector.load %arg1[%get3A_386, %get3A_387] : memref<256x1024xf32, #tpu.memory_space<vmem>>, vector<8x1024xf32>
    %get3A_389 = arith.constant 0 : index
    %get3A_390 = arith.constant 208 : index
    %get3A_391 = vector.load %arg2[%get3A_389, %get3A_390] : memref<8x256xf32, #tpu.memory_space<vmem>>, vector<8x8xf32>
    %broadcast_in_dim3A_392 = vector.shape_cast %get3A_388 : vector<8x1024xf32> to vector<1x8x1024xf32>
    %broadcast_in_dim3A_393 = vector.shape_cast %get3A_391 : vector<8x8xf32> to vector<8x8x1xf32>
    %mul3A_394 = vector.broadcast %broadcast_in_dim3A_392 : vector<1x8x1024xf32> to vector<8x8x1024xf32>
    %mul3A_395 = vector.broadcast %broadcast_in_dim3A_393 : vector<8x8x1xf32> to vector<8x8x1024xf32>
    %mul3A_396 = arith.mulf %mul3A_394, %mul3A_395 : vector<8x8x1024xf32>
    %swap3A_397 = arith.constant 0 : index
    %swap3A_398 = arith.constant 208 : index
    %swap3A_399 = arith.constant 0 : index
    %swap3A_400 = vector.load %arg3[%swap3A_397, %swap3A_398, %swap3A_399] : memref<8x256x1024xf32, #tpu.memory_space<vmem>>, vector<8x8x1024xf32>
    tpu.vector_store %arg3[%swap3A_397, %swap3A_398, %swap3A_399], %mul3A_396 {strides = array<i32>} : memref<8x256x1024xf32, #tpu.memory_space<vmem>>, vector<8x8x1024xf32>,
    %get3A_401 = arith.constant 216 : index
    %get3A_402 = arith.constant 0 : index
    %get3A_403 = vector.load %arg1[%get3A_401, %get3A_402] : memref<256x1024xf32, #tpu.memory_space<vmem>>, vector<8x1024xf32>
    %get3A_404 = arith.constant 0 : index
    %get3A_405 = arith.constant 216 : index
    %get3A_406 = vector.load %arg2[%get3A_404, %get3A_405] : memref<8x256xf32, #tpu.memory_space<vmem>>, vector<8x8xf32>
    %broadcast_in_dim3A_407 = vector.shape_cast %get3A_403 : vector<8x1024xf32> to vector<1x8x1024xf32>
    %broadcast_in_dim3A_408 = vector.shape_cast %get3A_406 : vector<8x8xf32> to vector<8x8x1xf32>
    %mul3A_409 = vector.broadcast %broadcast_in_dim3A_407 : vector<1x8x1024xf32> to vector<8x8x1024xf32>
    %mul3A_410 = vector.broadcast %broadcast_in_dim3A_408 : vector<8x8x1xf32> to vector<8x8x1024xf32>
    %mul3A_411 = arith.mulf %mul3A_409, %mul3A_410 : vector<8x8x1024xf32>
    %swap3A_412 = arith.constant 0 : index
    %swap3A_413 = arith.constant 216 : index
    %swap3A_414 = arith.constant 0 : index
    %swap3A_415 = vector.load %arg3[%swap3A_412, %swap3A_413, %swap3A_414] : memref<8x256x1024xf32, #tpu.memory_space<vmem>>, vector<8x8x1024xf32>
    tpu.vector_store %arg3[%swap3A_412, %swap3A_413, %swap3A_414], %mul3A_411 {strides = array<i32>} : memref<8x256x1024xf32, #tpu.memory_space<vmem>>, vector<8x8x1024xf32>,
    %get3A_416 = arith.constant 224 : index
    %get3A_417 = arith.constant 0 : index
    %get3A_418 = vector.load %arg1[%get3A_416, %get3A_417] : memref<256x1024xf32, #tpu.memory_space<vmem>>, vector<8x1024xf32>
    %get3A_419 = arith.constant 0 : index
    %get3A_420 = arith.constant 224 : index
    %get3A_421 = vector.load %arg2[%get3A_419, %get3A_420] : memref<8x256xf32, #tpu.memory_space<vmem>>, vector<8x8xf32>
    %broadcast_in_dim3A_422 = vector.shape_cast %get3A_418 : vector<8x1024xf32> to vector<1x8x1024xf32>
    %broadcast_in_dim3A_423 = vector.shape_cast %get3A_421 : vector<8x8xf32> to vector<8x8x1xf32>
    %mul3A_424 = vector.broadcast %broadcast_in_dim3A_422 : vector<1x8x1024xf32> to vector<8x8x1024xf32>
    %mul3A_425 = vector.broadcast %broadcast_in_dim3A_423 : vector<8x8x1xf32> to vector<8x8x1024xf32>
    %mul3A_426 = arith.mulf %mul3A_424, %mul3A_425 : vector<8x8x1024xf32>
    %swap3A_427 = arith.constant 0 : index
    %swap3A_428 = arith.constant 224 : index
    %swap3A_429 = arith.constant 0 : index
    %swap3A_430 = vector.load %arg3[%swap3A_427, %swap3A_428, %swap3A_429] : memref<8x256x1024xf32, #tpu.memory_space<vmem>>, vector<8x8x1024xf32>
    tpu.vector_store %arg3[%swap3A_427, %swap3A_428, %swap3A_429], %mul3A_426 {strides = array<i32>} : memref<8x256x1024xf32, #tpu.memory_space<vmem>>, vector<8x8x1024xf32>,
    %get3A_431 = arith.constant 232 : index
    %get3A_432 = arith.constant 0 : index
    %get3A_433 = vector.load %arg1[%get3A_431, %get3A_432] : memref<256x1024xf32, #tpu.memory_space<vmem>>, vector<8x1024xf32>
    %get3A_434 = arith.constant 0 : index
    %get3A_435 = arith.constant 232 : index
    %get3A_436 = vector.load %arg2[%get3A_434, %get3A_435] : memref<8x256xf32, #tpu.memory_space<vmem>>, vector<8x8xf32>
    %broadcast_in_dim3A_437 = vector.shape_cast %get3A_433 : vector<8x1024xf32> to vector<1x8x1024xf32>
    %broadcast_in_dim3A_438 = vector.shape_cast %get3A_436 : vector<8x8xf32> to vector<8x8x1xf32>
    %mul3A_439 = vector.broadcast %broadcast_in_dim3A_437 : vector<1x8x1024xf32> to vector<8x8x1024xf32>
    %mul3A_440 = vector.broadcast %broadcast_in_dim3A_438 : vector<8x8x1xf32> to vector<8x8x1024xf32>
    %mul3A_441 = arith.mulf %mul3A_439, %mul3A_440 : vector<8x8x1024xf32>
    %swap3A_442 = arith.constant 0 : index
    %swap3A_443 = arith.constant 232 : index
    %swap3A_444 = arith.constant 0 : index
    %swap3A_445 = vector.load %arg3[%swap3A_442, %swap3A_443, %swap3A_444] : memref<8x256x1024xf32, #tpu.memory_space<vmem>>, vector<8x8x1024xf32>
    tpu.vector_store %arg3[%swap3A_442, %swap3A_443, %swap3A_444], %mul3A_441 {strides = array<i32>} : memref<8x256x1024xf32, #tpu.memory_space<vmem>>, vector<8x8x1024xf32>,
    %get3A_446 = arith.constant 240 : index
    %get3A_447 = arith.constant 0 : index
    %get3A_448 = vector.load %arg1[%get3A_446, %get3A_447] : memref<256x1024xf32, #tpu.memory_space<vmem>>, vector<8x1024xf32>
    %get3A_449 = arith.constant 0 : index
    %get3A_450 = arith.constant 240 : index
    %get3A_451 = vector.load %arg2[%get3A_449, %get3A_450] : memref<8x256xf32, #tpu.memory_space<vmem>>, vector<8x8xf32>
    %broadcast_in_dim3A_452 = vector.shape_cast %get3A_448 : vector<8x1024xf32> to vector<1x8x1024xf32>
    %broadcast_in_dim3A_453 = vector.shape_cast %get3A_451 : vector<8x8xf32> to vector<8x8x1xf32>
    %mul3A_454 = vector.broadcast %broadcast_in_dim3A_452 : vector<1x8x1024xf32> to vector<8x8x1024xf32>
    %mul3A_455 = vector.broadcast %broadcast_in_dim3A_453 : vector<8x8x1xf32> to vector<8x8x1024xf32>
    %mul3A_456 = arith.mulf %mul3A_454, %mul3A_455 : vector<8x8x1024xf32>
    %swap3A_457 = arith.constant 0 : index
    %swap3A_458 = arith.constant 240 : index
    %swap3A_459 = arith.constant 0 : index
    %swap3A_460 = vector.load %arg3[%swap3A_457, %swap3A_458, %swap3A_459] : memref<8x256x1024xf32, #tpu.memory_space<vmem>>, vector<8x8x1024xf32>
    tpu.vector_store %arg3[%swap3A_457, %swap3A_458, %swap3A_459], %mul3A_456 {strides = array<i32>} : memref<8x256x1024xf32, #tpu.memory_space<vmem>>, vector<8x8x1024xf32>,
    %get3A_461 = arith.constant 248 : index
    %get3A_462 = arith.constant 0 : index
    %get3A_463 = vector.load %arg1[%get3A_461, %get3A_462] : memref<256x1024xf32, #tpu.memory_space<vmem>>, vector<8x1024xf32>
    %get3A_464 = arith.constant 0 : index
    %get3A_465 = arith.constant 248 : index
    %get3A_466 = vector.load %arg2[%get3A_464, %get3A_465] : memref<8x256xf32, #tpu.memory_space<vmem>>, vector<8x8xf32>
    %broadcast_in_dim3A_467 = vector.shape_cast %get3A_463 : vector<8x1024xf32> to vector<1x8x1024xf32>
    %broadcast_in_dim3A_468 = vector.shape_cast %get3A_466 : vector<8x8xf32> to vector<8x8x1xf32>
    %mul3A_469 = vector.broadcast %broadcast_in_dim3A_467 : vector<1x8x1024xf32> to vector<8x8x1024xf32>
    %mul3A_470 = vector.broadcast %broadcast_in_dim3A_468 : vector<8x8x1xf32> to vector<8x8x1024xf32>
    %mul3A_471 = arith.mulf %mul3A_469, %mul3A_470 : vector<8x8x1024xf32>
    %swap3A_472 = arith.constant 0 : index
    %swap3A_473 = arith.constant 248 : index
    %swap3A_474 = arith.constant 0 : index
    %swap3A_475 = vector.load %arg3[%swap3A_472, %swap3A_473, %swap3A_474] : memref<8x256x1024xf32, #tpu.memory_space<vmem>>, vector<8x8x1024xf32>
    tpu.vector_store %arg3[%swap3A_472, %swap3A_473, %swap3A_474], %mul3A_471 {strides = array<i32>} : memref<8x256x1024xf32, #tpu.memory_space<vmem>>, vector<8x8x1024xf32>,
    return
  }
  func.func @transform_0(%arg0: i32) -> (i32, i32) {
    %c0_i32 = arith.constant 0 : i32
    %c0_i32_0 = arith.constant 0 : i32
    return %arg0, %c0_i32 : i32, i32
  }
  func.func @transform_1(%arg0: i32) -> (i32, i32) {
    %c0_i32 = arith.constant 0 : i32
    %c0_i32_0 = arith.constant 0 : i32
    return %c0_i32, %arg0 : i32, i32
  }
  func.func @transform_2(%arg0: i32) -> (i32, i32, i32) {
    %c0_i32 = arith.constant 0 : i32
    %c0_i32_0 = arith.constant 0 : i32
    %c0_i32_1 = arith.constant 0 : i32
    return %c0_i32, %arg0, %c0_i32_0 : i32, i32, i32
  }
}

</mosaic_0001>

<sc_bundles>
// kernel: kernel.4.cloned.1.call-start
scs
__scs_entry_jumppad:
0x0: {  	(pc) =	sbr.rel $0x88, $3  }
0x1: {  	(tag) =	ssettag $0x0;
	lr =	simm.s32 $0x1  }
0x2: {  	[smem:$0x3F9E] =	sst lr;
	_ =	strace $0xD0000000  }
0x3: {  	_ = 	snop  }
0x4: {  	_ = 	snop  }
0x5: {  	_ = 	snop  }
0x6: {  	_ = 	snop  }
0x7: {  	_ = 	snop  }
__scs_overlays_trampoline_lowered:
0x8: {  	[smem:$0x3FAD] =	sst s0  }
0x9: {  	[smem:$0x3FAE] =	sst s1  }
0xa: {  	[smem:$0x3FAF] =	sst s2  }
0xb: {  	[smem:$0x3FB0] =	sst s3  }
0xc: {  	[smem:$0x3FB1] =	sst s4  }
0xd: {  	[smem:$0x3FB2] =	sst s5  }
0xe: {  	[smem:$0x3FB3] =	sst s6  }
0xf: {  	[smem:$0x3FB4] =	sst s7  }
0x10: {  	[smem:$0x3FB5] =	sst s8  }
0x11: {  	[smem:$0x3FB6] =	sst s9;
	s0 =	simm.s32 @!p0 $0x0  }
0x12: {  	s1 =	sld [smem:$0x3F9C];
	s0 =	simm.s32 @p0 $0x1  }
0x13: {  	[smem:$0x3FB7] =	sst s0;
	s0 =	simm.s32 @!p1 $0x0  }
0x14: {  	s2 =	sld [smem:$0x3F9B];
	s0 =	simm.s32 @p1 $0x1  }
0x15: {  	[smem:$0x3FB8] =	sst s0;
	s0 =	simm.s32 @!p2 $0x0  }
0x16: {  	s3 =	sld [smem:$0x3FDB];
	s0 =	simm.s32 @p2 $0x1  }
0x17: {  	s4 =	simm.s32 $0x1BF5;
	[smem:$0x3FBA] =	sst s0  }
0x18: {  	s0 =	sld [smem:$0x3F9D];
	_ =	swait.ge [sflag:s4], $0x0  }
0x19: {  	s7 =	sld [smem:$0x3F9E]  }
0x1a: {  	s8 =	sadd.s32 $0xFFFFE003, lr  }
0x1b: {  	s9 =	sadd.s32 $0xFFFFFEF7, lr;
	s5 =	simm.s32 $0xFFFFFFFF;
	p2 =	slt.u32 s8, $0xFFFFF086  }
0x1c: {  	p1 =	slt.u32 s9, $0xF7A;
	s5 =	simm.s32 @!p2 $0x0  }
0x1d: {  	s5 =	simm.s32 @p1 $0x1;
	p0 =	seq.s32 s7, s2  }
0x1e: {  	s7 =	smul.u32 @!p0 $0xF7A, s2;
	p2 =	seq.s32 @!p0 s5, $0x0  }
0x1f: {  	s9 =	smul.u32 $0xF7A, s1;
	s8 =	simm.s32 @!p0 $0x1BF5;
	p2 =	por !p2, p0  }
0x20: {  	[sflag:s8] =	ssyncset.s32 @!p0 $0xFFFFF086;
	s6 =	sadd.s32 @!p0 s3, s7;
	s7 =	simm.s32 @!p0 $0x108  }
0x21: {  	s3 =	sadd.s32 s3, s9;
	s6 =	sadd.s32 @!p0 $0x88, s6;
	s7 =	simm.s32 @p2 $0x1082  }
0x22: {  	[simem:s7], [sflag:s8] =	dma.local @!p0 [hbm:s6], $0xF7A  }
0x23: {  	s9 =	sor.u32 $0xD0000000, s2;
	s6 =	simm.s32 $0x108;
	_ =	swait.ge @!p0 [sflag:s8], $0x0  }
0x24: {  	s3 =	sadd.s32 $0x88, s3;
	s6 =	simm.s32 @!p1 $0x1082;
	[sflag:s4] =	ssyncset.s32 $0xFFFFF086  }
0x25: {  	[simem:s6], [sflag:s4] =	dma.local [hbm:s3], $0xF7A  }
0x26: {  	[smem:$0x3F9E] =	sst s1;
	(tag) =	ssettag s2;
	_ =	strace s9  }
0x27: {  	s1 =	sld [smem:$0x3FAE]  }
0x28: {  	s2 =	sld [smem:$0x3FAF]  }
0x29: {  	s4 =	sld [smem:$0x3FB1]  }
0x2a: {  	p0 =	seq.s32 s5, $0x0;
	s5 =	sld [smem:$0x3FB2]  }
0x2b: {  	s6 =	sld [smem:$0x3FB3]  }
0x2c: {  	s7 =	sld [smem:$0x3FB4]  }
0x2d: {  	s3 =	simm.s32 $0x108;
	s8 =	sld [smem:$0x3FB5]  }
0x2e: {  	s3 =	simm.s32 @!p0 $0x1082;
	s9 =	sld [smem:$0x3FB6]  }
0x2f: {  	lr =	sadd.s32 s0, s3;
	s0 =	sld [smem:$0x3FAD]  }
0x30: {  	s3 =	sld [smem:$0x3FB0]  }
0x31: {  	[smem:$0x3FB9] =	sst s10  }
0x32: {  	s10 =	sld [smem:$0x3FB7];
	_ =	sdelay $0x3  }
0x33: {  	p0 =	seq.s32 s10, $0x1;
	s10 =	sld [smem:$0x3FB9];
	_ =	sdelay $0x3  }
0x34: {  	[smem:$0x3FB9] =	sst s10  }
0x35: {  	s10 =	sld [smem:$0x3FB8];
	_ =	sdelay $0x3  }
0x36: {  	p1 =	seq.s32 s10, $0x1;
	s10 =	sld [smem:$0x3FB9];
	_ =	sdelay $0x3  }
0x37: {  	[smem:$0x3FB9] =	sst s10  }
0x38: {  	s10 =	sld [smem:$0x3FBA]  }
0x39: {  	_ = 	snop;
	(pc) =	sbr.ind lr, $3  }
0x3a: {  	_ = 	snop  }
0x3b: {  	_ = 	snop  }
0x3c: {  	p2 =	seq.s32 s10, $0x1;
	s10 =	sld [smem:$0x3FB9]  }
0x3d: {  	_ =	shalt  }
0x3e: {  	_ =	shalt  }
0x3f: {  	_ =	shalt  }
0x40: {  	_ =	shalt  }
0x41: {  	_ =	shalt  }
0x42: {  	_ =	shalt  }
0x43: {  	_ =	shalt  }
0x44: {  	_ =	shalt  }
0x45: {  	_ =	shalt  }
0x46: {  	_ =	shalt  }
0x47: {  	_ =	shalt  }
0x48: {  	_ =	shalt  }
0x49: {  	_ =	shalt  }
0x4a: {  	_ =	shalt  }
0x4b: {  	_ =	shalt  }
0x4c: {  	_ =	shalt  }
0x4d: {  	_ =	shalt  }
0x4e: {  	_ =	shalt  }
0x4f: {  	_ =	shalt  }
0x50: {  	_ =	shalt  }
0x51: {  	_ =	shalt  }
0x52: {  	_ =	shalt  }
0x53: {  	_ =	shalt  }
0x54: {  	_ =	shalt  }
0x55: {  	_ =	shalt  }
0x56: {  	_ =	shalt  }
0x57: {  	_ =	shalt  }
0x58: {  	_ =	shalt  }
0x59: {  	_ =	shalt  }
0x5a: {  	_ =	shalt  }
0x5b: {  	_ =	shalt  }
0x5c: {  	_ =	shalt  }
0x5d: {  	_ =	shalt  }
0x5e: {  	_ =	shalt  }
0x5f: {  	_ =	shalt  }
0x60: {  	_ =	shalt  }
0x61: {  	_ =	shalt  }
0x62: {  	_ =	shalt  }
0x63: {  	_ =	shalt  }
0x64: {  	_ =	shalt  }
0x65: {  	_ =	shalt  }
0x66: {  	_ =	shalt  }
0x67: {  	_ =	shalt  }
0x68: {  	_ =	shalt  }
0x69: {  	_ =	shalt  }
0x6a: {  	_ =	shalt  }
0x6b: {  	_ =	shalt  }
0x6c: {  	_ =	shalt  }
0x6d: {  	_ =	shalt  }
0x6e: {  	_ =	shalt  }
0x6f: {  	_ =	shalt  }
0x70: {  	_ =	shalt  }
0x71: {  	_ =	shalt  }
0x72: {  	_ =	shalt  }
0x73: {  	_ =	shalt  }
0x74: {  	_ =	shalt  }
0x75: {  	_ =	shalt  }
0x76: {  	_ =	shalt  }
0x77: {  	_ =	shalt  }
0x78: {  	_ =	shalt  }
0x79: {  	_ =	shalt  }
0x7a: {  	_ =	shalt  }
0x7b: {  	_ =	shalt  }
0x7c: {  	_ =	shalt  }
0x7d: {  	_ =	shalt  }
0x7e: {  	_ =	shalt  }
0x7f: {  	_ =	shalt  }
0x80: {  	_ =	shalt  }
0x81: {  	_ =	shalt  }
0x82: {  	_ =	shalt  }
0x83: {  	_ =	shalt  }
0x84: {  	_ =	shalt  }
0x85: {  	_ =	shalt  }
0x86: {  	_ =	shalt  }
0x87: {  	_ =	shalt  }
.Lfunc_end0:
.L_simem_size_0:
called_computation_lowered:
.L_overlay_start_0:
0x88: {  	s2 =	sld [smem:$0x3FD9]  }
0x89: {  	s3 =	sld [smem:$0x3FFE];
	_ =	sdelay $0x1  }
0x8a: {  	s1 =	srdreg.scid  }
0x8b: {  	s0 =	sand.u32 $0x1, s1  }
0x8c: {  	s17 =	sshll.u32 s0, $0xA;
	s2 =	sadd.s32 s3, s2  }
0x8d: {  	s2 =	sadd.s32 s2, s17  }
0x8e: {  	[smem:$0x3FC5] =	sst s2  }
0x8f: {  	_ = 	snop  }
0x90: {  	s2 =	sld [smem:$0x3FC7]  }
0x91: {  	s18 =	sld [smem:$0x3FD0];
	(tm) =	ssettm $0x1  }
0x92: {  	s4 =	sld [smem:$0x3FFB];
	_ =	sdelay $0x3  }
0x93: {  	_ =	strace s4  }
0x94: {  	s4 =	sld [smem:$0x3FFC];
	_ =	sdelay $0x3  }
0x95: {  	_ =	strace s4  }
0x96: {  	s4 =	sld [smem:$0x3FFD];
	_ =	sdelay $0x3  }
0x97: {  	_ =	strace s4  }
0x98: {  	_ =	strace $0x8FFFFFFF  }
0x99: {  	s19 =	sld [smem:$0x3FDB];
	_ =	sdelay $0x1  }
0x9a: {  	s5 =	simm.s32 $_scs_section_size  }
0x9b: {  	s6 =	simm.s32 $_size__tile_overlayer_lowered;
	s7 =	simm.s32 $_tile_overlayer_lowered  }
0x9c: {  	s22 =	simm.s32 $0x1BFF;
	s21 =	sshll.u32 s7, $0x1;
	s4 =	sadd.s32 s5, s19  }
0x9d: {  	s8 =	simm.s32 $0x0;
	s20 =	sshll.u32 s6, $0x1;
	s6 =	sadd.s32 s21, s4  }
0x9e: {  	[timem:s8], [sflag:s22] =	dma.local [hbm:s6], s20  }
0x9f: {  	_ =	swait.ge [sflag:s22], s20  }
0xa0: {  	s5 =	ssub.s32 $0x0, s20;
	[sflag:s22] =	ssyncset.done $0x0  }
0xa1: {  	[sflag:s22] =	ssyncadd.s32 s5;
	_ =	sdelay $0x1  }
0xa2: {  	s23 =	simm.s32 $0x1B8B  }
0xa3: {  	_ =	swait.ge [sflag:s23], $0x1  }
0xa4: {  	[sflag:s23] =	ssyncset.done $0x0  }
0xa5: {  	s25 =	simm.s32 $0x1B8E;
	s24 =	sld [smem:$0x3FFE];
	[sflag:s23] =	ssyncadd.s32 $0xFFFFFFFF  }
0xa6: {  	s26 =	simm.s32 $execute0_lowered;
	[smem:$0x3FD2] =	sst s25  }
0xa7: {  	s6 =	sshll.u32 s26, $0x1;
	_ =	strace $0x80000046;
	[dreg:$0x1] =	wrdreg $0xFFFFFFFF  }
0xa8: {  	s28 =	simm.s32 $_size_execute0_lowered;
	s4 =	sadd.s32 s4, s6;
	[dreg:$0x0] =	wrdreg $0x0  }
0xa9: {  	s6 =	sshll.u32 s28, $0x1;
	[dreg:$0x2] =	wrdreg s4  }
0xaa: {  	[dreg:$0x3] =	wrdreg s6  }
0xab: {  	[dreg:$0x4] =	wrdreg $0xC0  }
0xac: {  	_ =	task [dreg:s8], $0x5FFFF  }
0xad: {  	[dreg:$0x1] =	wrdreg $0xFFFFFFFF  }
0xae: {  	[dreg:$0x0] =	wrdreg $0x60  }
0xaf: {  	[dreg:$0x2] =	wrdreg s24  }
0xb0: {  	[dreg:$0x3] =	wrdreg s2  }
0xb1: {  	[dreg:$0x4] =	wrdreg s18  }
0xb2: {  	[dreg:$0x5] =	wrdreg $0x9  }
0xb3: {  	_ =	task.clear_ibuf [dreg:s8], $0x6FFFF;
	_ =	strace $0x90000046  }
0xb4: {  	s29 =	simm.s32 $0x9;
	_ =	strace $0x80000048  }
0xb5: {  	_ =	swait.ge [sflag:s29], $0x1  }
0xb6: {  	[sflag:s29] =	ssyncadd.s32 $0xFFFFFFFF  }
0xb7: {  	_ =	strace $0x90000048  }
0xb8: {  	_ =	sfence  }
0xb9: {  	s30 =	sld [smem:$0x0];
	_ =	sdelay $0x2  }
0xba: {  	s31 =	sshll.u32 s1, $0xD;
	s1 =	sshrl.u32 s1, $0x2  }
0xbb: {  	s3 =	sand.u32 $0x4000, s31;
	s1 =	sadd.s32 s1, s30  }
0xbc: {  	s0 =	sor.u32 s3, s0;
	s1 =	sshll.u32 s1, $0x11  }
0xbd: {  	s0 =	sor.u32 s1, s0  }
0xbe: {  	s0 =	sadd.s32 $0x8F2B, s0  }
0xbf: {  	[sflag:s0] =	ssyncadd.remote.s32 $0x1  }
0xc0: {  	_ =	sfence.sel $0xFFFF  }
0xc1: {  	[dreg:$0x0] =	wrdreg $0xFFFFFFFF;
	(pc) =	sbr.abs _section_cstart, $3  }
0xc2: {  	[dreg:$0x1] =	wrdreg $0xFFFFFFFF  }
0xc3: {  	_ =	task.clear_ibuf [dreg:s8], $0x2FFFF;
	_ =	strace $0x9FFFFFFF  }
0xc4: {  	(tm) =	ssettm $0x7FFFFFFF  }
0xc5: {  	_ =	shalt  }
tec
execute0_lowered:
.L_overlay_start_1:
0x0: {  	(tag) =	ssettag $0x1  }
0x1: {  	s4 =	rddreg [dreg:$0x0]  }
0x2: {  	s1 =	rddreg [dreg:$0x1]  }
0x3: {  	s5 =	rddreg [dreg:$0x2]  }
0x4: {  	s0 =	rddreg [dreg:$0x3];
	s3 =	simm.s32 $0x0;
	s6 =	srdreg.scid  }
0x5: {  	s2 =	stileid.u32;
	s14 =	simm.s32 $0x2;
	s15 =	simm.s32 $0x100  }
0x6: {  	s16 =	simm.s32 $0x180;
	s17 =	simm.s32 $0x200;
	s18 =	simm.s32 $0x280  }
0x7: {  	v0 =	vlaneseq.u32;
	v2 =	vimm.f32 $0.0e+00;
	s19 =	simm.s32 $0x300;
	s20 =	simm.s32 $0x380;
	s21 =	simm.s32 $0x400  }
0x8: {  	v4 =	vimm.f32 $1.000000000e+00;
	s22 =	simm.s32 $0x480;
	s23 =	simm.s32 $0x500;
	s24 =	simm.s32 $0x1;
	v1 =	vmul.u32 $0x2, v0;
	v7 =	vor.u32 $0x10, v0  }
0x9: {  	[smem:$0x7FF] =	sst s3;
	s6 =	sand.u32 $0x1, s6;
	s7 =	sshll.u32 s2, $0x1;
	v10 =	vor.u32 $0x20, v0;
	v13 =	vor.u32 $0x30, v0;
	v16 =	vor.u32 $0x40, v0  }
0xa: {  	v19 =	vor.u32 $0x50, v0;
	v22 =	vor.u32 $0x60, v0;
	v25 =	vor.u32 $0x70, v0;
	_ =	strace $0x80000047;
	s7 =	sor.u32 s6, s7;
	s6 =	ssub.s32 $0x2, s6  }
0xb: {  	s8 =	sshll.u32 s7, $0x5;
	s7 =	sshll.u32 s7, $0x7;
	s9 =	sshrl.u32 s6, $0x1;
	v3 =	vor.u32 $0x1, v1;
	v5 =	vor.u32 $0x20, v1;
	v6 =	vor.u32 $0x21, v1  }
0xc: {  	v8 =	vor.u32 $0x40, v1;
	v9 =	vor.u32 $0x41, v1;
	v11 =	vor.u32 $0x60, v1;
	s8 =	sadd.s32 s8, s4;
	s4 =	sadd.s32 s5, s7;
	s13 =	ssub.s32 s6, s9  }
0xd: {  	v12 =	vor.u32 $0x61, v1;
	v14 =	vor.u32 $0x80, v1;
	v15 =	vor.u32 $0x81, v1;
	s5 =	sadd.s32 $0x800, s8;
	s6 =	sadd.s32 $0x10, s4;
	s7 =	sadd.s32 $0x20, s4  }
0xe: {  	v17 =	vor.u32 $0xA0, v1;
	v18 =	vor.u32 $0xA1, v1;
	v20 =	vor.u32 $0xC0, v1;
	s8 =	sadd.s32 $0x30, s4;
	s9 =	sadd.s32 $0x40, s4;
	s10 =	sadd.s32 $0x50, s4  }
0xf: {  	v21 =	vor.u32 $0xC1, v1;
	v23 =	vor.u32 $0xE0, v1;
	v24 =	vor.u32 $0xE1, v1;
	s11 =	sadd.s32 $0x60, s4;
	s12 =	sadd.s32 $0x70, s4;
	s13 =	smax.u32 s13, $0x1  }
.LBB2_1:
0x10: {  	[tilespmem:s3], [sflag:$0x2] =	stream.linear.gather [hbm4b:s5+s3], $0x100, $0x38;
	[tilespmem:$0x580] =	vst v63  }
0x11: {  	_ =	swait.ge [sflag:s14], $0x100  }
0x12: {  	[sflag:s14] =	ssyncset.done $0x0  }
0x13: {  	[sflag:s14] =	ssyncadd.s32 $0xFFFFFF00  }
0x14: {  	[tilespmem:s15], [sflag:$0x2] =	stream.linear.gather [hbm4b:s1+s3], $0x80, $0x38;
	[tilespmem:$0x580] =	vst v63  }
0x15: {  	_ =	swait.ge [sflag:s14], $0x80  }
0x16: {  	[sflag:s14] =	ssyncset.done $0x0  }
0x17: {  	[sflag:s14] =	ssyncadd.s32 $0xFFFFFF80  }
0x18: {  	[tilespmem:$0x180] =	vst v2  }
0x19: {  	[tilespmem:$0x190] =	vst v2  }
0x1a: {  	[tilespmem:$0x1A0] =	vst v2  }
0x1b: {  	[tilespmem:$0x1B0] =	vst v2  }
0x1c: {  	[tilespmem:$0x1C0] =	vst v2  }
0x1d: {  	[tilespmem:$0x1D0] =	vst v2  }
0x1e: {  	[tilespmem:$0x1E0] =	vst v2  }
0x1f: {  	[tilespmem:$0x1F0] =	vst v2  }
0x20: {  	[tilespmem:$0x200] =	vst v2  }
0x21: {  	[tilespmem:$0x210] =	vst v2  }
0x22: {  	[tilespmem:$0x220] =	vst v2  }
0x23: {  	[tilespmem:$0x230] =	vst v2  }
0x24: {  	[tilespmem:$0x240] =	vst v2  }
0x25: {  	[tilespmem:$0x250] =	vst v2  }
0x26: {  	[tilespmem:$0x260] =	vst v2  }
0x27: {  	[tilespmem:$0x270] =	vst v2  }
0x28: {  	[tilespmem:$0x280] =	vst v2  }
0x29: {  	[tilespmem:$0x290] =	vst v2  }
0x2a: {  	[tilespmem:$0x2A0] =	vst v2  }
0x2b: {  	[tilespmem:$0x2B0] =	vst v2  }
0x2c: {  	[tilespmem:$0x2C0] =	vst v2  }
0x2d: {  	[tilespmem:$0x2D0] =	vst v2  }
0x2e: {  	[tilespmem:$0x2E0] =	vst v2  }
0x2f: {  	[tilespmem:$0x2F0] =	vst v2  }
0x30: {  	[tilespmem:$0x300] =	vst v2  }
0x31: {  	[tilespmem:$0x310] =	vst v2  }
0x32: {  	[tilespmem:$0x320] =	vst v2  }
0x33: {  	[tilespmem:$0x330] =	vst v2  }
0x34: {  	[tilespmem:$0x340] =	vst v2  }
0x35: {  	[tilespmem:$0x350] =	vst v2  }
0x36: {  	[tilespmem:$0x360] =	vst v2  }
0x37: {  	[tilespmem:$0x370] =	vst v2  }
0x38: {  	[tilespmem:$0x380] =	vst v2  }
0x39: {  	[tilespmem:$0x390] =	vst v2  }
0x3a: {  	[tilespmem:$0x3A0] =	vst v2  }
0x3b: {  	[tilespmem:$0x3B0] =	vst v2  }
0x3c: {  	[tilespmem:$0x3C0] =	vst v2  }
0x3d: {  	[tilespmem:$0x3D0] =	vst v2  }
0x3e: {  	[tilespmem:$0x3E0] =	vst v2  }
0x3f: {  	[tilespmem:$0x3F0] =	vst v2  }
0x40: {  	[tilespmem:$0x400] =	vst v2  }
0x41: {  	[tilespmem:$0x410] =	vst v2  }
0x42: {  	[tilespmem:$0x420] =	vst v2  }
0x43: {  	[tilespmem:$0x430] =	vst v2  }
0x44: {  	[tilespmem:$0x440] =	vst v2  }
0x45: {  	[tilespmem:$0x450] =	vst v2  }
0x46: {  	[tilespmem:$0x460] =	vst v2  }
0x47: {  	[tilespmem:$0x470] =	vst v2  }
0x48: {  	[tilespmem:$0x480] =	vst v2  }
0x49: {  	[tilespmem:$0x490] =	vst v2  }
0x4a: {  	[tilespmem:$0x4A0] =	vst v2  }
0x4b: {  	[tilespmem:$0x4B0] =	vst v2  }
0x4c: {  	[tilespmem:$0x4C0] =	vst v2  }
0x4d: {  	[tilespmem:$0x4D0] =	vst v2  }
0x4e: {  	[tilespmem:$0x4E0] =	vst v2  }
0x4f: {  	[tilespmem:$0x4F0] =	vst v2  }
0x50: {  	[tilespmem:$0x500] =	vst v2  }
0x51: {  	[tilespmem:$0x510] =	vst v2  }
0x52: {  	[tilespmem:$0x520] =	vst v2  }
0x53: {  	[tilespmem:$0x530] =	vst v2  }
0x54: {  	[tilespmem:$0x540] =	vst v2  }
0x55: {  	[tilespmem:$0x550] =	vst v2  }
0x56: {  	[tilespmem:$0x560] =	vst v2  }
0x57: {  	[tilespmem:$0x570] =	vst v2  }
0x58: {  	v26 =	vld.idx.msk [tilespmem:v1+s3+$0x0], $0xffff  }
0x59: {  	v27 =	vld.idx.msk [tilespmem:v3+s3+$0x0], $0xffff;
	_ =	sdelay $0x6  }
0x5a: {  	v26 =	vld.idx.msk [tilespmem:v26+s15+$0x0], $0xffff  }
0x5b: {  	v27 =	vld.idx.msk [tilespmem:v27+s15+$0x0], $0xffff;
	_ =	sdelay $0x3  }
0x5c: {  	v26 =	vshll.u32 v26, $0x7  }
0x5d: {  	v27 =	vshll.u32 v27, $0x7;
	v26 =	vor.u32 v0, v26  }
0x5e: {  	v27 =	vor.u32 v0, v27;
	_ =	sdelay $0x3  }
0x5f: {  	[tilespmem:v26+s16+$0x0] =	vst.idx.msk $0xffff, v4  }
0x60: {  	[tilespmem:v27+s16+$0x0] =	vst.idx.msk $0xffff, v4  }
0x61: {  	v26 =	vld.idx.msk [tilespmem:v5+s3+$0x0], $0xffff  }
0x62: {  	v27 =	vld.idx.msk [tilespmem:v6+s3+$0x0], $0xffff;
	_ =	sdelay $0x6  }
0x63: {  	v26 =	vld.idx.msk [tilespmem:v26+s15+$0x0], $0xffff  }
0x64: {  	v27 =	vld.idx.msk [tilespmem:v27+s15+$0x0], $0xffff;
	_ =	sdelay $0x3  }
0x65: {  	v26 =	vshll.u32 v26, $0x7  }
0x66: {  	v27 =	vshll.u32 v27, $0x7;
	v26 =	vor.u32 v7, v26  }
0x67: {  	v27 =	vor.u32 v7, v27;
	_ =	sdelay $0x3  }
0x68: {  	[tilespmem:v26+s16+$0x0] =	vst.idx.msk $0xffff, v4  }
0x69: {  	[tilespmem:v27+s16+$0x0] =	vst.idx.msk $0xffff, v4  }
0x6a: {  	v26 =	vld.idx.msk [tilespmem:v8+s3+$0x0], $0xffff  }
0x6b: {  	v27 =	vld.idx.msk [tilespmem:v9+s3+$0x0], $0xffff;
	_ =	sdelay $0x6  }
0x6c: {  	v26 =	vld.idx.msk [tilespmem:v26+s15+$0x0], $0xffff  }
0x6d: {  	v27 =	vld.idx.msk [tilespmem:v27+s15+$0x0], $0xffff;
	_ =	sdelay $0x3  }
0x6e: {  	v26 =	vshll.u32 v26, $0x7  }
0x6f: {  	v27 =	vshll.u32 v27, $0x7;
	v26 =	vor.u32 v10, v26  }
0x70: {  	v27 =	vor.u32 v10, v27;
	_ =	sdelay $0x3  }
0x71: {  	[tilespmem:v26+s16+$0x0] =	vst.idx.msk $0xffff, v4  }
0x72: {  	[tilespmem:v27+s16+$0x0] =	vst.idx.msk $0xffff, v4  }
0x73: {  	v26 =	vld.idx.msk [tilespmem:v11+s3+$0x0], $0xffff  }
0x74: {  	v27 =	vld.idx.msk [tilespmem:v12+s3+$0x0], $0xffff;
	_ =	sdelay $0x6  }
0x75: {  	v26 =	vld.idx.msk [tilespmem:v26+s15+$0x0], $0xffff  }
0x76: {  	v27 =	vld.idx.msk [tilespmem:v27+s15+$0x0], $0xffff;
	_ =	sdelay $0x3  }
0x77: {  	v26 =	vshll.u32 v26, $0x7  }
0x78: {  	v27 =	vshll.u32 v27, $0x7;
	v26 =	vor.u32 v13, v26  }
0x79: {  	v27 =	vor.u32 v13, v27;
	_ =	sdelay $0x3  }
0x7a: {  	[tilespmem:v26+s16+$0x0] =	vst.idx.msk $0xffff, v4  }
0x7b: {  	[tilespmem:v27+s16+$0x0] =	vst.idx.msk $0xffff, v4  }
0x7c: {  	v26 =	vld.idx.msk [tilespmem:v14+s3+$0x0], $0xffff  }
0x7d: {  	v27 =	vld.idx.msk [tilespmem:v15+s3+$0x0], $0xffff;
	_ =	sdelay $0x6  }
0x7e: {  	v26 =	vld.idx.msk [tilespmem:v26+s15+$0x0], $0xffff  }
0x7f: {  	v27 =	vld.idx.msk [tilespmem:v27+s15+$0x0], $0xffff;
	_ =	sdelay $0x3  }
0x80: {  	v26 =	vshll.u32 v26, $0x7  }
0x81: {  	v27 =	vshll.u32 v27, $0x7;
	v26 =	vor.u32 v16, v26  }
0x82: {  	v27 =	vor.u32 v16, v27;
	_ =	sdelay $0x3  }
0x83: {  	[tilespmem:v26+s16+$0x0] =	vst.idx.msk $0xffff, v4  }
0x84: {  	[tilespmem:v27+s16+$0x0] =	vst.idx.msk $0xffff, v4  }
0x85: {  	v26 =	vld.idx.msk [tilespmem:v17+s3+$0x0], $0xffff  }
0x86: {  	v27 =	vld.idx.msk [tilespmem:v18+s3+$0x0], $0xffff;
	_ =	sdelay $0x6  }
0x87: {  	v26 =	vld.idx.msk [tilespmem:v26+s15+$0x0], $0xffff  }
0x88: {  	v27 =	vld.idx.msk [tilespmem:v27+s15+$0x0], $0xffff;
	_ =	sdelay $0x3  }
0x89: {  	v26 =	vshll.u32 v26, $0x7  }
0x8a: {  	v27 =	vshll.u32 v27, $0x7;
	v26 =	vor.u32 v19, v26  }
0x8b: {  	v27 =	vor.u32 v19, v27;
	_ =	sdelay $0x3  }
0x8c: {  	[tilespmem:v26+s16+$0x0] =	vst.idx.msk $0xffff, v4  }
0x8d: {  	[tilespmem:v27+s16+$0x0] =	vst.idx.msk $0xffff, v4  }
0x8e: {  	v26 =	vld.idx.msk [tilespmem:v20+s3+$0x0], $0xffff  }
0x8f: {  	v27 =	vld.idx.msk [tilespmem:v21+s3+$0x0], $0xffff;
	_ =	sdelay $0x6  }
0x90: {  	v26 =	vld.idx.msk [tilespmem:v26+s15+$0x0], $0xffff  }
0x91: {  	v27 =	vld.idx.msk [tilespmem:v27+s15+$0x0], $0xffff;
	_ =	sdelay $0x3  }
0x92: {  	v26 =	vshll.u32 v26, $0x7  }
0x93: {  	v27 =	vshll.u32 v27, $0x7;
	v26 =	vor.u32 v22, v26  }
0x94: {  	v27 =	vor.u32 v22, v27;
	_ =	sdelay $0x3  }
0x95: {  	[tilespmem:v26+s16+$0x0] =	vst.idx.msk $0xffff, v4  }
0x96: {  	[tilespmem:v27+s16+$0x0] =	vst.idx.msk $0xffff, v4  }
0x97: {  	v26 =	vld.idx.msk [tilespmem:v23+s3+$0x0], $0xffff  }
0x98: {  	v27 =	vld.idx.msk [tilespmem:v24+s3+$0x0], $0xffff;
	_ =	sdelay $0x6  }
0x99: {  	v26 =	vld.idx.msk [tilespmem:v26+s15+$0x0], $0xffff  }
0x9a: {  	v27 =	vld.idx.msk [tilespmem:v27+s15+$0x0], $0xffff;
	_ =	sdelay $0x3  }
0x9b: {  	v26 =	vshll.u32 v26, $0x7  }
0x9c: {  	v27 =	vshll.u32 v27, $0x7;
	v26 =	vor.u32 v25, v26  }
0x9d: {  	v27 =	vor.u32 v25, v27;
	_ =	sdelay $0x3  }
0x9e: {  	[tilespmem:v26+s16+$0x0] =	vst.idx.msk $0xffff, v4  }
0x9f: {  	[tilespmem:v27+s16+$0x0] =	vst.idx.msk $0xffff, v4  }
0xa0: {  	[hbm4b:s4+s3] =	stream.linear.scatter [tilespmem:s16], [sflag:$0x1], $0x80, $0x38;
	[tilespmem:$0x580] =	vst v63  }
0xa1: {  	_ = 	snop  }
0xa2: {  	[hbm4b:s6+s3] =	stream.linear.scatter [tilespmem:s17], [sflag:$0x1], $0x80, $0x38;
	[tilespmem:$0x580] =	vst v63  }
0xa3: {  	_ = 	snop  }
0xa4: {  	[hbm4b:s7+s3] =	stream.linear.scatter [tilespmem:s18], [sflag:$0x1], $0x80, $0x38;
	[tilespmem:$0x580] =	vst v63  }
0xa5: {  	_ = 	snop  }
0xa6: {  	[hbm4b:s8+s3] =	stream.linear.scatter [tilespmem:s19], [sflag:$0x1], $0x80, $0x38;
	[tilespmem:$0x580] =	vst v63  }
0xa7: {  	_ = 	snop  }
0xa8: {  	[hbm4b:s9+s3] =	stream.linear.scatter [tilespmem:s20], [sflag:$0x1], $0x80, $0x38;
	[tilespmem:$0x580] =	vst v63  }
0xa9: {  	_ = 	snop  }
0xaa: {  	[hbm4b:s10+s3] =	stream.linear.scatter [tilespmem:s21], [sflag:$0x1], $0x80, $0x38;
	[tilespmem:$0x580] =	vst v63  }
0xab: {  	_ = 	snop  }
0xac: {  	[hbm4b:s11+s3] =	stream.linear.scatter [tilespmem:s22], [sflag:$0x1], $0x80, $0x38;
	[tilespmem:$0x580] =	vst v63  }
0xad: {  	_ = 	snop  }
0xae: {  	[hbm4b:s12+s3] =	stream.linear.scatter [tilespmem:s23], [sflag:$0x1], $0x80, $0x38;
	[tilespmem:$0x580] =	vst v63  }
0xaf: {  	_ =	swait.ge [sflag:s24], $0x80  }
0xb0: {  	[sflag:s24] =	ssyncset.done $0x0  }
0xb1: {  	[sflag:s24] =	ssyncadd.s32 $0xFFFFFF80  }
0xb2: {  	_ =	swait.ge [sflag:s24], $0x80  }
0xb3: {  	[sflag:s24] =	ssyncset.done $0x0  }
0xb4: {  	[sflag:s24] =	ssyncadd.s32 $0xFFFFFF80  }
0xb5: {  	_ =	swait.ge [sflag:s24], $0x80  }
0xb6: {  	[sflag:s24] =	ssyncset.done $0x0  }
0xb7: {  	[sflag:s24] =	ssyncadd.s32 $0xFFFFFF80  }
0xb8: {  	_ =	swait.ge [sflag:s24], $0x80  }
0xb9: {  	[sflag:s24] =	ssyncset.done $0x0  }
0xba: {  	[sflag:s24] =	ssyncadd.s32 $0xFFFFFF80  }
0xbb: {  	_ =	swait.ge [sflag:s24], $0x80  }
0xbc: {  	[sflag:s24] =	ssyncset.done $0x0  }
0xbd: {  	[sflag:s24] =	ssyncadd.s32 $0xFFFFFF80  }
0xbe: {  	_ =	swait.ge [sflag:s24], $0x80  }
0xbf: {  	[sflag:s24] =	ssyncset.done $0x0  }
0xc0: {  	[sflag:s24] =	ssyncadd.s32 $0xFFFFFF80  }
0xc1: {  	p0 =	sne.s32 s13, $0x1;
	_ =	swait.ge [sflag:s24], $0x80  }
.Ltmp0:
0xc2: {  	[sflag:s24] =	ssyncset.done $0x0;
	(pc) =	sbr.rel @p0 .LBB2_1-.Ltmp0, $4  }
0xc3: {  	[sflag:s24] =	ssyncadd.s32 $0xFFFFFF80  }
0xc4: {  	_ =	swait.ge [sflag:s24], $0x80  }
0xc5: {  	[sflag:s24] =	ssyncset.done $0x0  }
0xc6: {  	s13 =	sadd.s32 $0xFFFFFFFF, s13;
	[sflag:s24] =	ssyncadd.s32 $0xFFFFFF80  }
0xc7: {  	_ =	sfence.sel $0x180000  }
0xc8: {  	[bflag:$0x0] =	sbarrier.arrive $0xFFFF  }
0xc9: {  	p0 =	sne.s32 s2, $0x0;
	_ =	strace $0x90000047  }
0xca: {  	s0 =	sadd.s32 @!p0 $0x100000, s0;
	[bflag:$0x2] =	sbarrier.arrive $0xFFFF  }
0xcb: {  	[sflag:s0] =	ssyncadd.tile.s32 @!p0 $0x1;
	_ =	shalt  }
.Lfunc_end2:
_tile_overlayer_lowered:
.L_overlay_start_2:
0xcc: {  	(tag) =	ssettag $0x2  }
0xcd: {  	s0 =	rddreg [dreg:$0x0];
	s2 =	stileid.u32  }
0xce: {  	s1 =	rddreg [dreg:$0x1];
	p0 =	sne.s32 s2, $0x0  }
0xcf: {  	s3 =	rddreg [dreg:$0x2];
	[bflag:$0x3] =	sbarrier.arrive $0xFFFF;
	s2 =	simm.s32 @!p0 $0x1C02  }
0xd0: {  	[timem:s3], [sflag:s2] =	dma.local @!p0 [hbm:s0], s1  }
0xd1: {  	s0 =	simm.s32 @!p0 $0x2  }
0xd2: {  	_ =	swait.ge @!p0 [sflag:s0], s1  }
0xd3: {  	s1 =	ssub.s32 @!p0 $0x0, s1;
	[sflag:s0] =	ssyncset.done @!p0 $0x0  }
0xd4: {  	[sflag:s0] =	ssyncadd.s32 @!p0 s1  }
0xd5: {  	[bflag:$0x3] =	sbarrier.arrive $0xFFFF  }
0xd6: {  	_ =	shalt  }

</sc_bundles>
